<compile_context>
chip_gen: v7x
topology: tpu7x:2x2x1
jax: 0.10.2.dev20260603
libtpu: 0.0.44.dev20260713+nightly
codegen_flags: <defaults>
</compile_context>

<pallas_src>
import functools

import jax
import jax.numpy as jnp
from jax import lax
from jax.experimental import pallas as pl
from jax.experimental.pallas import tpu as pltpu
from jax.experimental.pallas import tpu_sc as plsc

B = 8
N = 4096
S = 1024
K = 32
M = B * S * K
EPS = 1e-5
BIG = 2 ** 30
INF = float("inf")



def _fps_body(xyzT_ref, far0_ref, cent_ref):
    X3 = xyzT_ref[...]
    iota_n = lax.broadcasted_iota(jnp.int32, (B, N), 1)

    D0 = jnp.full((B, N), 1e10, dtype=jnp.float32)
    far0 = far0_ref[:, 0:1]

    def body(t, carry):
        D, far = carry
        oh = iota_n == far
        cent = jnp.sum(jnp.where(oh[None], X3, 0.0), axis=2)
        cent_ref[pl.ds(t, 1), :, :] = cent.reshape(1, 3, B)
        d = jnp.sum((X3 - cent[:, :, None]) ** 2, axis=0)
        D = jnp.minimum(D, d)
        mx = jnp.max(D, axis=1, keepdims=True)
        far = jnp.min(jnp.where(D == mx, iota_n, BIG), axis=1, keepdims=True)
        return D, far

    lax.fori_loop(0, S, body, (D0, far0))


def _run_fps(xyzT3, far0):
    return pl.pallas_call(
        _fps_body,
        out_shape=jax.ShapeDtypeStruct((S, 3, B), jnp.float32),
    )(xyzT3, far0)



TK_ROWS = 256


def _topk_body(c_ref, xyzT_ref, out_ref):
    b = pl.program_id(0) // (S // TK_ROWS)
    P = xyzT_ref[0]
    C = c_ref[...]
    d = ((C[:, 0:1] - P[0:1, :]) ** 2
         + (C[:, 1:2] - P[1:2, :]) ** 2
         + (C[:, 2:3] - P[2:3, :]) ** 2)
    iota = lax.broadcasted_iota(jnp.int32, (TK_ROWS, N), 1)
    off = (b * N).astype(jnp.int32)
    for j in range(K):
        mn = jnp.min(d, axis=1, keepdims=True)
        ix = jnp.min(jnp.where(d == mn, iota, BIG), axis=1, keepdims=True)
        out_ref[:, j:j + 1] = ix + off
        d = jnp.where(iota == ix, INF, d)


def _run_topk(new_xyz_flat, xyzT):
    grid = (B * S // TK_ROWS,)
    return pl.pallas_call(
        _topk_body,
        grid=grid,
        in_specs=[
            pl.BlockSpec((TK_ROWS, 3), lambda i: (i, 0)),
            pl.BlockSpec((1, 3, N), lambda i: (i // (S // TK_ROWS), 0, 0)),
        ],
        out_specs=pl.BlockSpec((TK_ROWS, K), lambda i: (i, 0)),
        out_shape=jax.ShapeDtypeStruct((B * S, K), jnp.int32),
    )(new_xyz_flat, xyzT)



NW = 32
ROWS_PER_W = M // NW
CHUNKS = ROWS_PER_W // 128


@functools.lru_cache(maxsize=1)
def _make_sc_gather():
    mesh = plsc.VectorSubcoreMesh(core_axis_name="c", subcore_axis_name="s")

    @functools.partial(
        pl.kernel,
        mesh=mesh,
        out_type=jax.ShapeDtypeStruct((NW, CHUNKS, 128, 16), jnp.float32),
        scratch_types=[
            pltpu.VMEM((CHUNKS, 128), jnp.int32),
            pltpu.VMEM((128, 16), jnp.float32),
            pltpu.SemaphoreType.DMA,
        ],
        compiler_params=pltpu.CompilerParams(use_tc_tiling_on_sc=False),
    )
    def gather_k(table_hbm, idx_hbm, out_hbm, idx_v, rows_v, sem):
        wid = lax.axis_index("s") * 2 + lax.axis_index("c")
        pltpu.sync_copy(idx_hbm.at[wid], idx_v)

        def body(j, carry):
            pltpu.async_copy(table_hbm.at[idx_v.at[j]], rows_v, sem).wait()
            pltpu.sync_copy(rows_v, out_hbm.at[wid, j])
            return carry

        lax.fori_loop(0, CHUNKS, body, 0, unroll=False)

    return gather_k


def _sc_gather(table, idx_sc):
    return _make_sc_gather()(table, idx_sc)



TILE = 4096
GROUPS = TILE // K
GRID_M = M // TILE


def _stage1_pre(x0b, centb, W1p, b1):
    u = jnp.dot(x0b, W1p.T, preferred_element_type=jnp.float32)
    corr = jnp.dot(centb, W1p[:, 0:3].T, preferred_element_type=jnp.float32)
    corr = jnp.broadcast_to(corr[:, None, :], (GROUPS, K, 64)).reshape(TILE, 64)
    return u - corr + b1


def _bn_coefs(st_ref, g, bt, width):
    s = st_ref[0:1, 0:width]
    q = st_ref[1:2, 0:width]
    mean = s * (1.0 / M)
    var = q * (1.0 / M) - mean * mean
    a = g * lax.rsqrt(var + EPS)
    c = bt - mean * a
    return a, c


def _accum_stats(st_ref, ypre, width, init):
    @pl.when(init)
    def _():
        st_ref[...] = jnp.zeros_like(st_ref)
    st_ref[0:1, 0:width] += jnp.sum(ypre, axis=0, keepdims=True)
    st_ref[1:2, 0:width] += jnp.sum(ypre * ypre, axis=0, keepdims=True)


def _m1_body(x0_ref, cent_ref, W1p_ref, PA_ref, st1_ref):
    b1 = PA_ref[0:1, 0:64]
    ypre = _stage1_pre(x0_ref[...], cent_ref[...], W1p_ref[...], b1)
    _accum_stats(st1_ref, ypre, 64, pl.program_id(0) == 0)


def _m2_body(x0_ref, cent_ref, W1p_ref, W2_ref, PA_ref, st1_ref, st2_ref):
    b1 = PA_ref[0:1, 0:64]
    y1pre = _stage1_pre(x0_ref[...], cent_ref[...], W1p_ref[...], b1)
    a1, c1 = _bn_coefs(st1_ref, PA_ref[1:2, 0:64], PA_ref[2:3, 0:64], 64)
    y1 = jnp.maximum(y1pre * a1 + c1, 0.0)
    y2pre = jnp.dot(y1, W2_ref[...].T, preferred_element_type=jnp.float32) \
        + PA_ref[3:4, 0:64]
    _accum_stats(st2_ref, y2pre, 64, pl.program_id(0) == 0)


def _m3_body(x0_ref, cent_ref, W1p_ref, W2_ref, W3_ref, PA_ref, PB_ref,
             st1_ref, st2_ref, st3_ref):
    b1 = PA_ref[0:1, 0:64]
    y1pre = _stage1_pre(x0_ref[...], cent_ref[...], W1p_ref[...], b1)
    a1, c1 = _bn_coefs(st1_ref, PA_ref[1:2, 0:64], PA_ref[2:3, 0:64], 64)
    y1 = jnp.maximum(y1pre * a1 + c1, 0.0)
    y2pre = jnp.dot(y1, W2_ref[...].T, preferred_element_type=jnp.float32) \
        + PA_ref[3:4, 0:64]
    a2, c2 = _bn_coefs(st2_ref, PA_ref[4:5, 0:64], PA_ref[5:6, 0:64], 64)
    y2 = jnp.maximum(y2pre * a2 + c2, 0.0)
    y3pre = jnp.dot(y2, W3_ref[...].T, preferred_element_type=jnp.float32) \
        + PB_ref[0:1, :]
    _accum_stats(st3_ref, y3pre, 128, pl.program_id(0) == 0)


def _m4_body(x0_ref, cent_ref, W1p_ref, W2_ref, W3_ref, PA_ref, PB_ref,
             st1_ref, st2_ref, st3_ref, out_ref):
    b1 = PA_ref[0:1, 0:64]
    y1pre = _stage1_pre(x0_ref[...], cent_ref[...], W1p_ref[...], b1)
    a1, c1 = _bn_coefs(st1_ref, PA_ref[1:2, 0:64], PA_ref[2:3, 0:64], 64)
    y1 = jnp.maximum(y1pre * a1 + c1, 0.0)
    y2pre = jnp.dot(y1, W2_ref[...].T, preferred_element_type=jnp.float32) \
        + PA_ref[3:4, 0:64]
    a2, c2 = _bn_coefs(st2_ref, PA_ref[4:5, 0:64], PA_ref[5:6, 0:64], 64)
    y2 = jnp.maximum(y2pre * a2 + c2, 0.0)
    y3pre = jnp.dot(y2, W3_ref[...].T, preferred_element_type=jnp.float32) \
        + PB_ref[0:1, :]
    a3, c3 = _bn_coefs(st3_ref, PB_ref[1:2, :], PB_ref[2:3, :], 128)
    y3 = jnp.maximum(y3pre * a3 + c3, 0.0)
    out_ref[...] = jnp.max(y3.reshape(GROUPS, K, 128), axis=1)


def _whole(shape):
    nd = len(shape)
    return pl.BlockSpec(shape, lambda i: (0,) * nd)


def _x0_spec():
    return pl.BlockSpec((TILE, 16), lambda i: (i, 0))


def _cent_spec():
    return pl.BlockSpec((GROUPS, 3), lambda i: (i, 0))


_ST = jax.ShapeDtypeStruct((8, 128), jnp.float32)
_ST_SPEC = pl.BlockSpec((8, 128), lambda i: (0, 0))


def _run_m1(x0, cent, W1p, PA):
    return pl.pallas_call(
        _m1_body, grid=(GRID_M,),
        in_specs=[_x0_spec(), _cent_spec(), _whole((64, 16)), _whole((8, 128))],
        out_specs=_ST_SPEC, out_shape=_ST,
    )(x0, cent, W1p, PA)


def _run_m2(x0, cent, W1p, W2, PA, st1):
    return pl.pallas_call(
        _m2_body, grid=(GRID_M,),
        in_specs=[_x0_spec(), _cent_spec(), _whole((64, 16)), _whole((64, 64)),
                  _whole((8, 128)), _whole((8, 128))],
        out_specs=_ST_SPEC, out_shape=_ST,
    )(x0, cent, W1p, W2, PA, st1)


def _run_m3(x0, cent, W1p, W2, W3, PA, PB, st1, st2):
    return pl.pallas_call(
        _m3_body, grid=(GRID_M,),
        in_specs=[_x0_spec(), _cent_spec(), _whole((64, 16)), _whole((64, 64)),
                  _whole((128, 64)), _whole((8, 128)), _whole((8, 128)),
                  _whole((8, 128)), _whole((8, 128))],
        out_specs=_ST_SPEC, out_shape=_ST,
    )(x0, cent, W1p, W2, W3, PA, PB, st1, st2)


def _run_m4(x0, cent, W1p, W2, W3, PA, PB, st1, st2, st3):
    return pl.pallas_call(
        _m4_body, grid=(GRID_M,),
        in_specs=[_x0_spec(), _cent_spec(), _whole((64, 16)), _whole((64, 64)),
                  _whole((128, 64)), _whole((8, 128)), _whole((8, 128)),
                  _whole((8, 128)), _whole((8, 128)), _whole((8, 128))],
        out_specs=pl.BlockSpec((GROUPS, 128), lambda i: (i, 0)),
        out_shape=jax.ShapeDtypeStruct((B * S, 128), jnp.float32),
    )(x0, cent, W1p, W2, W3, PA, PB, st1, st2, st3)



@jax.jit
def kernel(xyz, points, W1, b1, g1, bt1, W2, b2, g2, bt2, W3, b3, g3, bt3):
    xyzT = jnp.transpose(xyz, (0, 2, 1))
    xyzT3 = jnp.transpose(xyz, (2, 0, 1))
    far0 = jax.random.randint(jax.random.key(42), (B,), 0, N)
    far0 = jnp.broadcast_to(far0.astype(jnp.int32)[:, None], (B, 128))

    cents = _run_fps(xyzT3, far0)
    new_xyz = jnp.transpose(cents, (2, 0, 1))
    new_xyz_flat = new_xyz.reshape(B * S, 3)

    gidx = _run_topk(new_xyz_flat, xyzT)
    idx_sc = gidx.reshape(NW, CHUNKS, 128)

    table = jnp.concatenate(
        [xyz, points, jnp.zeros((B, N, 7), jnp.float32)], axis=-1
    ).reshape(B * N, 16)

    x0 = _sc_gather(table, idx_sc).reshape(M, 16)

    W1p = jnp.concatenate([W1, jnp.zeros((64, 7), jnp.float32)], axis=1)
    pad64 = lambda v: jnp.concatenate([v, jnp.zeros((64,), jnp.float32)])
    PA = jnp.stack([pad64(b1), pad64(g1), pad64(bt1),
                    pad64(b2), pad64(g2), pad64(bt2),
                    jnp.zeros((128,), jnp.float32),
                    jnp.zeros((128,), jnp.float32)])
    PB = jnp.stack([b3, g3, bt3] + [jnp.zeros((128,), jnp.float32)] * 5)

    st1 = _run_m1(x0, new_xyz_flat, W1p, PA)
    st2 = _run_m2(x0, new_xyz_flat, W1p, W2, PA, st1)
    st3 = _run_m3(x0, new_xyz_flat, W1p, W2, W3, PA, PB, st1, st2)
    pooled = _run_m4(x0, new_xyz_flat, W1p, W2, W3, PA, PB, st1, st2, st3)

    return new_xyz, pooled.reshape(B, S, 128)

# --- scband reference (transcript-rebuilt; emitter-appended) ---
"""Pipeline reference for scband-point-net-set-abstraction-19061064860312 (READ-ONLY COPY).

The authoritative reference and input builder live on the scoring server;
editing this copy changes nothing except your own understanding.
"""

import jax, jax.numpy as jnp
import numpy as np

NPOINT = 1024
NSAMPLE = 32
EPS = 1e-5

def index_points(points, idx):
    B = points.shape[0]
    batch_idx = jnp.arange(B).reshape((B,) + (1,) * (idx.ndim - 1))
    return points[batch_idx, idx]

def farthest_point_sample(xyz, npoint, key):
    # indices-only output: gradients do not flow through FPS in the torch code either
    xyz = jax.lax.stop_gradient(xyz)
    B, N, _ = xyz.shape
    farthest = jax.random.randint(key, (B,), 0, N)
    distance = jnp.full((B, N), 1e10, dtype=xyz.dtype)

    def body(carry, _):
        distance, farthest = carry
        centroid = xyz[jnp.arange(B), farthest][:, None, :]
        dist = jnp.sum((xyz - centroid) ** 2, -1)
        distance = jnp.where(dist < distance, dist, distance)
        new_far = jnp.argmax(distance, -1)
        return (distance, new_far), farthest

    _, cents = jax.lax.scan(body, (distance, farthest), None, length=npoint)
    return cents.T  # [B, npoint]

def square_distance(src, dst):
    return jnp.sum((src[:, :, None, :] - dst[:, None, :, :]) ** 2, axis=-1)

def query_ball_point(nsample, xyz, new_xyz):
    sqrdists = square_distance(new_xyz, xyz)
    return jnp.argsort(sqrdists, axis=-1)[:, :, :nsample]

def conv_bn_relu(x, W, b, gamma, beta):
    # 1x1 Conv2d == channel matmul; BatchNorm2d in training mode (batch statistics)
    y = jnp.einsum('oc,bcks->boks', W, x) + b[None, :, None, None]
    mean = y.mean(axis=(0, 2, 3), keepdims=True)
    var = y.var(axis=(0, 2, 3), keepdims=True)
    y = (y - mean) / jnp.sqrt(var + EPS)
    y = y * gamma[None, :, None, None] + beta[None, :, None, None]
    return jax.nn.relu(y)

def setup_inputs(seed: int = 0):
    key = jax.random.key(seed)
    ks = jax.random.split(key, 16)
    B, N = 8, 4096
    inp = {
        'xyz': jax.random.normal(ks[0], (B, N, 3), dtype=jnp.float32),
        'points': jax.random.normal(ks[1], (B, N, 6), dtype=jnp.float32),
    }
    dims = [(64, 9), (64, 64), (128, 64)]
    for i, (o, c) in enumerate(dims, start=1):
        inp['W%d' % i] = jax.random.normal(ks[2 * i], (o, c), dtype=jnp.float32) * 0.1
        inp['b%d' % i] = jnp.zeros((o,), dtype=jnp.float32)
        inp['g%d' % i] = jnp.ones((o,), dtype=jnp.float32)
        inp['bt%d' % i] = jnp.zeros((o,), dtype=jnp.float32)
    return inp

def reference(xyz, points, W1, b1, g1, bt1, W2, b2, g2, bt2, W3, b3, g3, bt3):
    fps_key = jax.random.key(42)
    fps_idx = farthest_point_sample(xyz, NPOINT, fps_key)
    new_xyz = index_points(xyz, fps_idx)
    group_idx = query_ball_point(NSAMPLE, xyz, new_xyz)
    grouped_xyz = index_points(xyz, group_idx) - new_xyz[:, :, None, :]
    grouped_points = index_points(points, group_idx)
    new_points = jnp.concatenate([grouped_xyz, grouped_points], axis=-1)
    x = jnp.transpose(new_points, (0, 3, 2, 1))  # [B, C, nsample, S]
    x = conv_bn_relu(x, W1, b1, g1, bt1)
    x = conv_bn_relu(x, W2, b2, g2, bt2)
    x = conv_bn_relu(x, W3, b3, g3, bt3)
    x = jnp.max(x, axis=2)  # [B, C, S]
    return new_xyz, jnp.transpose(x, (0, 2, 1))

if __name__ == "__main__":
    import jax
    _d = setup_inputs()
    print(jax.jit(kernel)(*tuple(_d.values())))

</pallas_src>

<mosaic_0001>
#map = affine_map<(d0, d1) -> (0, 0)>
#map1 = affine_map<(d0, d1) -> (0, 0, 0)>
#map2 = affine_map<(d0, d1) -> (0, 0, 0, 0)>
module attributes {stable_mosaic.version = 14 : i64} {
  func.func @gather_k(%arg0: i32, %arg1: i32, %arg2: memref<32768x16xf32, #tpu.memory_space<hbm>>, %arg3: memref<32x64x128xi32, #tpu.memory_space<hbm>>, %arg4: memref<32x64x128x16xf32, #tpu.memory_space<hbm>>, %arg5: memref<64x128xi32, #tpu.memory_space<vmem>>, %arg6: memref<128x16xf32, #tpu.memory_space<vmem>>, %arg7: memref<!tpu.dma_semaphore, #tpu.memory_space<semaphore_mem>>) attributes {dimension_semantics = [#tpu.dimension_semantics<core_parallel>, #tpu.dimension_semantics<subcore_parallel>], iteration_bounds = array<i64: 2, 16>, scalar_prefetch = 0 : i64, scratch_operands = 3 : i64, tpu.core_type = #tpu.core_type<sc_vector_subcore>, window_params = [{transform_indices = #map}, {transform_indices = #map1}, {transform_indices = #map2}]} {
    %mul3A = arith.constant 2 : i32
    %mul3A_0 = arith.muli %arg1, %mul3A : i32
    %add3A = arith.addi %mul3A_0, %arg0 : i32
    "tpu.region"() ({
      %run_scoped3A = tpu.sem_alloc : memref<!tpu.dma_semaphore, #tpu.memory_space<semaphore_mem>>
      %dma_start3A = arith.constant 0 : i32
      %dma_start3A_6 = arith.constant 0 : i32
      %dma_start3A_7 = tpu.memref_slice %arg3[%add3A, %dma_start3A, %dma_start3A_6] : memref<32x64x128xi32, #tpu.memory_space<hbm>> -> memref<1x64x128xi32, #tpu.memory_space<hbm>>
      %dma_start3A_8 = tpu.memref_squeeze %dma_start3A_7 : memref<1x64x128xi32, #tpu.memory_space<hbm>> -> memref<64x128xi32, #tpu.memory_space<hbm>>
      %dma_start3A_9 = arith.constant 0 : i32
      %dma_start3A_10 = arith.constant 0 : i32
      %dma_start3A_11 = tpu.memref_slice %arg3[%add3A, %dma_start3A_9, %dma_start3A_10] : memref<32x64x128xi32, #tpu.memory_space<hbm>> -> memref<1x64x128xi32, #tpu.memory_space<hbm>>
      %dma_start3A_12 = tpu.memref_squeeze %dma_start3A_11 : memref<1x64x128xi32, #tpu.memory_space<hbm>> -> memref<64x128xi32, #tpu.memory_space<hbm>>
      tpu.enqueue_dma source(%dma_start3A_12 : memref<64x128xi32, #tpu.memory_space<hbm>>) target(%arg5 : memref<64x128xi32, #tpu.memory_space<vmem>>) target_semaphore(%run_scoped3A : memref<!tpu.dma_semaphore, #tpu.memory_space<semaphore_mem>>)
      %dma_wait3A = arith.constant 0 : i32
      %dma_wait3A_13 = arith.constant 0 : i32
      %dma_wait3A_14 = tpu.memref_slice %arg3[%add3A, %dma_wait3A, %dma_wait3A_13] : memref<32x64x128xi32, #tpu.memory_space<hbm>> -> memref<1x64x128xi32, #tpu.memory_space<hbm>>
      %dma_wait3A_15 = tpu.memref_squeeze %dma_wait3A_14 : memref<1x64x128xi32, #tpu.memory_space<hbm>> -> memref<64x128xi32, #tpu.memory_space<hbm>>
      %dma_wait3A_16 = arith.constant 0 : i32
      %dma_wait3A_17 = arith.constant 0 : i32
      %dma_wait3A_18 = tpu.memref_slice %arg3[%add3A, %dma_wait3A_16, %dma_wait3A_17] : memref<32x64x128xi32, #tpu.memory_space<hbm>> -> memref<1x64x128xi32, #tpu.memory_space<hbm>>
      %dma_wait3A_19 = tpu.memref_squeeze %dma_wait3A_18 : memref<1x64x128xi32, #tpu.memory_space<hbm>> -> memref<64x128xi32, #tpu.memory_space<hbm>>
      tpu.wait_dma2 semaphore(%run_scoped3A : memref<!tpu.dma_semaphore, #tpu.memory_space<semaphore_mem>>) src(%dma_wait3A_19 : memref<64x128xi32, #tpu.memory_space<hbm>>) dst(%arg5 : memref<64x128xi32, #tpu.memory_space<vmem>>)
      tpu.yield
    }) : () -> ()
    %scan3A = arith.constant 0 : i32
    %scan3A_1 = arith.constant 0 : i32
    %scan3A_2 = arith.constant 64 : i32
    %scan3A_3 = arith.addi %scan3A_1, %scan3A_2 : i32
    %scan3A_4 = arith.constant 1 : i32
    scf.for %scan3A_6 = %scan3A_1 to %scan3A_3 step %scan3A_4  : i32 {
      %dma_start3A = arith.constant 0 : i32
      %dma_start3A_7 = tpu.memref_slice %arg5[%scan3A_6, %dma_start3A] : memref<64x128xi32, #tpu.memory_space<vmem>> -> memref<1x128xi32, #tpu.memory_space<vmem>>
      %dma_start3A_8 = tpu.memref_squeeze %dma_start3A_7 : memref<1x128xi32, #tpu.memory_space<vmem>> -> memref<128xi32, #tpu.memory_space<vmem>>
      %dma_start3A_9 = arith.constant 0 : i32
      %dma_start3A_10 = arith.constant 0 : i32
      %dma_start3A_11 = tpu.memref_slice %arg2[%dma_start3A_9, %dma_start3A_10] : memref<32768x16xf32, #tpu.memory_space<hbm>> -> memref<32768x16xf32, #tpu.memory_space<hbm>>
      tpu.enqueue_indirect_dma source(%dma_start3A_11 : memref<32768x16xf32, #tpu.memory_space<hbm>>) target(%arg6 : memref<128x16xf32, #tpu.memory_space<vmem>>) offsets(%dma_start3A_8 : memref<128xi32, #tpu.memory_space<vmem>>) semaphore(%arg7 : memref<!tpu.dma_semaphore, #tpu.memory_space<semaphore_mem>>)
      %dma_wait3A = arith.constant 0 : i32
      %dma_wait3A_12 = tpu.memref_slice %arg5[%scan3A_6, %dma_wait3A] : memref<64x128xi32, #tpu.memory_space<vmem>> -> memref<1x128xi32, #tpu.memory_space<vmem>>
      %dma_wait3A_13 = tpu.memref_squeeze %dma_wait3A_12 : memref<1x128xi32, #tpu.memory_space<vmem>> -> memref<128xi32, #tpu.memory_space<vmem>>
      %dma_wait3A_14 = arith.constant 0 : i32
      %dma_wait3A_15 = arith.constant 0 : i32
      %dma_wait3A_16 = tpu.memref_slice %arg2[%dma_wait3A_14, %dma_wait3A_15] : memref<32768x16xf32, #tpu.memory_space<hbm>> -> memref<32768x16xf32, #tpu.memory_space<hbm>>
      tpu.wait_indirect_dma semaphore(%arg7 : memref<!tpu.dma_semaphore, #tpu.memory_space<semaphore_mem>>) src(%dma_wait3A_16 : memref<32768x16xf32, #tpu.memory_space<hbm>>) dst(%arg6 : memref<128x16xf32, #tpu.memory_space<vmem>>)
      "tpu.region"() ({
        %run_scoped3A = tpu.sem_alloc : memref<!tpu.dma_semaphore, #tpu.memory_space<semaphore_mem>>
        %dma_start3A_17 = arith.constant 0 : i32
        %dma_start3A_18 = arith.constant 0 : i32
        %dma_start3A_19 = tpu.memref_slice %arg4[%add3A, %scan3A_6, %dma_start3A_17, %dma_start3A_18] : memref<32x64x128x16xf32, #tpu.memory_space<hbm>> -> memref<1x1x128x16xf32, #tpu.memory_space<hbm>>
        %dma_start3A_20 = tpu.memref_squeeze %dma_start3A_19 : memref<1x1x128x16xf32, #tpu.memory_space<hbm>> -> memref<128x16xf32, #tpu.memory_space<hbm>>
        %dma_start3A_21 = arith.constant 0 : i32
        %dma_start3A_22 = arith.constant 0 : i32
        %dma_start3A_23 = tpu.memref_slice %arg4[%add3A, %scan3A_6, %dma_start3A_21, %dma_start3A_22] : memref<32x64x128x16xf32, #tpu.memory_space<hbm>> -> memref<1x1x128x16xf32, #tpu.memory_space<hbm>>
        %dma_start3A_24 = tpu.memref_squeeze %dma_start3A_23 : memref<1x1x128x16xf32, #tpu.memory_space<hbm>> -> memref<128x16xf32, #tpu.memory_space<hbm>>
        tpu.enqueue_dma source(%arg6 : memref<128x16xf32, #tpu.memory_space<vmem>>) target(%dma_start3A_24 : memref<128x16xf32, #tpu.memory_space<hbm>>) target_semaphore(%run_scoped3A : memref<!tpu.dma_semaphore, #tpu.memory_space<semaphore_mem>>)
        %dma_wait3A_25 = arith.constant 0 : i32
        %dma_wait3A_26 = arith.constant 0 : i32
        %dma_wait3A_27 = tpu.memref_slice %arg4[%add3A, %scan3A_6, %dma_wait3A_25, %dma_wait3A_26] : memref<32x64x128x16xf32, #tpu.memory_space<hbm>> -> memref<1x1x128x16xf32, #tpu.memory_space<hbm>>
        %dma_wait3A_28 = tpu.memref_squeeze %dma_wait3A_27 : memref<1x1x128x16xf32, #tpu.memory_space<hbm>> -> memref<128x16xf32, #tpu.memory_space<hbm>>
        %dma_wait3A_29 = arith.constant 0 : i32
        %dma_wait3A_30 = arith.constant 0 : i32
        %dma_wait3A_31 = tpu.memref_slice %arg4[%add3A, %scan3A_6, %dma_wait3A_29, %dma_wait3A_30] : memref<32x64x128x16xf32, #tpu.memory_space<hbm>> -> memref<1x1x128x16xf32, #tpu.memory_space<hbm>>
        %dma_wait3A_32 = tpu.memref_squeeze %dma_wait3A_31 : memref<1x1x128x16xf32, #tpu.memory_space<hbm>> -> memref<128x16xf32, #tpu.memory_space<hbm>>
        tpu.wait_dma2 semaphore(%run_scoped3A : memref<!tpu.dma_semaphore, #tpu.memory_space<semaphore_mem>>) src(%arg6 : memref<128x16xf32, #tpu.memory_space<vmem>>) dst(%dma_wait3A_32 : memref<128x16xf32, #tpu.memory_space<hbm>>)
        tpu.yield
      }) : () -> ()
    }
    %scan3A_5 = arith.constant 64 : i32
    return
  }
}

module attributes {stable_mosaic.version = 14 : i64} {
  func.func @_fps_body(%arg0: memref<3x8x4096xf32, #tpu.memory_space<vmem>>, %arg1: memref<8x128xi32, #tpu.memory_space<vmem>>, %arg2: memref<1024x3x8xf32, #tpu.memory_space<vmem>>) attributes {dimension_semantics = [], scalar_prefetch = 0 : i64, scratch_operands = 0 : i64, tpu.core_type = #tpu.core_type<tc>} {
    %get3A = arith.constant 0 : index
    %get3A_0 = arith.constant 0 : index
    %get3A_1 = arith.constant 0 : index
    %get3A_2 = vector.load %arg0[%get3A, %get3A_0, %get3A_1] : memref<3x8x4096xf32, #tpu.memory_space<vmem>>, vector<3x8x4096xf32>
    %iota3A = tpu.iota {dimensions = array<i32: 1>} : vector<8x4096xi32>
    %broadcast_in_dim3A = arith.constant 1.000000e+10 : f32
    %broadcast_in_dim3A_3 = vector.broadcast %broadcast_in_dim3A : f32 to vector<8x4096xf32>
    %get3A_4 = arith.constant 0 : index
    %get3A_5 = arith.constant 0 : index
    %get3A_6 = vector.load %arg1[%get3A_4, %get3A_5] : memref<8x128xi32, #tpu.memory_space<vmem>>, vector<8x1xi32>
    %scan3A = arith.constant 0 : i32
    %scan3A_7 = arith.constant 1024 : i32
    %scan3A_8 = arith.addi %scan3A, %scan3A_7 : i32
    %scan3A_9 = arith.constant 1 : i32
    %scan3A_10:2 = scf.for %scan3A_12 = %scan3A to %scan3A_8 step %scan3A_9 iter_args(%scan3A_13 = %broadcast_in_dim3A_3, %scan3A_14 = %get3A_6) -> (vector<8x4096xf32>, vector<8x1xi32>)  : i32 {
      %eq3A = vector.broadcast %scan3A_14 : vector<8x1xi32> to vector<8x4096xi32>
      %eq3A_15 = arith.cmpi eq, %iota3A, %eq3A : vector<8x4096xi32>
      %broadcast_in_dim3A_16 = vector.shape_cast %eq3A_15 : vector<8x4096xi1> to vector<1x8x4096xi1>
      %jit3A = arith.constant 0.000000e+00 : f32
      %broadcast_in_dim3A_17 = vector.shape_cast %broadcast_in_dim3A_16 : vector<1x8x4096xi1> to vector<1x8x4096xi1>
      %broadcast_in_dim3A_18 = vector.broadcast %broadcast_in_dim3A_17 : vector<1x8x4096xi1> to vector<3x8x4096xi1>
      %broadcast_in_dim3A_19 = vector.broadcast %jit3A : f32 to vector<3x8x4096xf32>
      %select_n3A = arith.select %broadcast_in_dim3A_18, %get3A_2, %broadcast_in_dim3A_19 : vector<3x8x4096xi1>, vector<3x8x4096xf32>
      %reduce_sum3A = arith.constant dense<0.000000e+00> : vector<3x8xf32>
      %reduce_sum3A_20 = vector.multi_reduction <add>, %select_n3A, %reduce_sum3A [2] : vector<3x8x4096xf32> to vector<3x8xf32>
      %reshape3A = vector.shape_cast %reduce_sum3A_20 : vector<3x8xf32> to vector<1x3x8xf32>
      %swap3A = arith.index_cast %scan3A_12 : i32 to index
      %swap3A_21 = arith.constant 0 : index
      %swap3A_22 = arith.constant 0 : index
      %swap3A_23 = vector.load %arg2[%swap3A, %swap3A_21, %swap3A_22] : memref<1024x3x8xf32, #tpu.memory_space<vmem>>, vector<1x3x8xf32>
      tpu.vector_store %arg2[%swap3A, %swap3A_21, %swap3A_22], %reshape3A {strides = array<i32>} : memref<1024x3x8xf32, #tpu.memory_space<vmem>>, vector<1x3x8xf32>,
      %broadcast_in_dim3A_24 = vector.shape_cast %reduce_sum3A_20 : vector<3x8xf32> to vector<3x8x1xf32>
      %sub3A = vector.broadcast %broadcast_in_dim3A_24 : vector<3x8x1xf32> to vector<3x8x4096xf32>
      %sub3A_25 = arith.subf %get3A_2, %sub3A : vector<3x8x4096xf32>
      %integer_pow3A = arith.mulf %sub3A_25, %sub3A_25 : vector<3x8x4096xf32>
      %reduce_sum3A_26 = arith.constant dense<0.000000e+00> : vector<8x4096xf32>
      %reduce_sum3A_27 = vector.multi_reduction <add>, %integer_pow3A, %reduce_sum3A_26 [0] : vector<3x8x4096xf32> to vector<8x4096xf32>
      %min3A = arith.minimumf %scan3A_13, %reduce_sum3A_27 : vector<8x4096xf32>
      %reduce_max3A = arith.constant dense<0xFF800000> : vector<8xf32>
      %reduce_max3A_28 = vector.multi_reduction <maximumf>, %min3A, %reduce_max3A [1] : vector<8x4096xf32> to vector<8xf32>
      %broadcast_in_dim3A_29 = vector.shape_cast %reduce_max3A_28 : vector<8xf32> to vector<8x1xf32>
      %eq3A_30 = vector.broadcast %broadcast_in_dim3A_29 : vector<8x1xf32> to vector<8x4096xf32>
      %eq3A_31 = arith.cmpf oeq, %min3A, %eq3A_30 : vector<8x4096xf32>
      %jit3A_32 = arith.constant 1073741824 : i32
      %broadcast_in_dim3A_33 = vector.broadcast %jit3A_32 : i32 to vector<8x4096xi32>
      %select_n3A_34 = arith.select %eq3A_31, %iota3A, %broadcast_in_dim3A_33 : vector<8x4096xi1>, vector<8x4096xi32>
      %reduce_min3A = arith.constant dense<2147483647> : vector<8xi32>
      %reduce_min3A_35 = vector.multi_reduction <minsi>, %select_n3A_34, %reduce_min3A [1] : vector<8x4096xi32> to vector<8xi32>
      %broadcast_in_dim3A_36 = vector.shape_cast %reduce_min3A_35 : vector<8xi32> to vector<8x1xi32>
      scf.yield %min3A, %broadcast_in_dim3A_36 : vector<8x4096xf32>, vector<8x1xi32>
    }
    %scan3A_11 = arith.constant 1024 : i32
    return
  }
}

module attributes {stable_mosaic.version = 14 : i64} {
  func.func @_topk_body(%arg0: i32, %arg1: memref<256x3xf32, #tpu.memory_space<vmem>>, %arg2: memref<1x3x4096xf32, #tpu.memory_space<vmem>>, %arg3: memref<256x32xi32, #tpu.memory_space<vmem>>) attributes {dimension_semantics = [#tpu.dimension_semantics<arbitrary>], iteration_bounds = array<i64: 32>, scalar_prefetch = 0 : i64, scratch_operands = 0 : i64, tpu.core_type = #tpu.core_type<tc>, window_params = [{transform_indices = @transform_0, window_bounds = array<i64: 256, 3>}, {transform_indices = @transform_1, window_bounds = array<i64: 1, 3, 4096>}, {transform_indices = @transform_2, window_bounds = array<i64: 256, 32>}]} {
    %jit3A = arith.constant 4 : i32
    %div3A = arith.divsi %arg0, %jit3A : i32
    %sign3A = arith.constant 0 : i32
    %sign3A_0 = arith.cmpi sgt, %arg0, %sign3A : i32
    %sign3A_1 = arith.extui %sign3A_0 : i1 to i32
    %sign3A_2 = arith.constant 0 : i32
    %sign3A_3 = arith.cmpi slt, %arg0, %sign3A_2 : i32
    %sign3A_4 = arith.extui %sign3A_3 : i1 to i32
    %sign3A_5 = arith.subi %sign3A_1, %sign3A_4 : i32
    %sign3A_6 = arith.constant 0 : i32
    %sign3A_7 = arith.cmpi sgt, %jit3A, %sign3A_6 : i32
    %sign3A_8 = arith.extui %sign3A_7 : i1 to i32
    %sign3A_9 = arith.constant 0 : i32
    %sign3A_10 = arith.cmpi slt, %jit3A, %sign3A_9 : i32
    %sign3A_11 = arith.extui %sign3A_10 : i1 to i32
    %sign3A_12 = arith.subi %sign3A_8, %sign3A_11 : i32
    %ne3A = arith.cmpi ne, %sign3A_5, %sign3A_12 : i32
    %rem3A = arith.remsi %arg0, %jit3A : i32
    %ne3A_13 = arith.constant 0 : i32
    %ne3A_14 = arith.cmpi ne, %rem3A, %ne3A_13 : i32
    %and3A = arith.andi %ne3A, %ne3A_14 : i1
    %sub3A = arith.constant 1 : i32
    %sub3A_15 = arith.subi %div3A, %sub3A : i32
    %select_n3A = arith.select %and3A, %sub3A_15, %div3A : i32
    %get3A = arith.constant 0 : index
    %get3A_16 = arith.constant 0 : index
    %get3A_17 = arith.constant 0 : index
    %get3A_18 = vector.load %arg2[%get3A, %get3A_16, %get3A_17] : memref<1x3x4096xf32, #tpu.memory_space<vmem>>, vector<1x3x4096xf32>
    %get3A_19 = vector.shape_cast %get3A_18 : vector<1x3x4096xf32> to vector<3x4096xf32>
    %get3A_20 = arith.constant 0 : index
    %get3A_21 = arith.constant 0 : index
    %get3A_22 = vector.load %arg1[%get3A_20, %get3A_21] : memref<256x3xf32, #tpu.memory_space<vmem>>, vector<256x3xf32>
    %slice3A = vector.extract_strided_slice %get3A_22 {offsets = [0, 0], sizes = [256, 1], strides = [1, 1]} : vector<256x3xf32> to vector<256x1xf32>
    %slice3A_23 = vector.extract_strided_slice %get3A_19 {offsets = [0, 0], sizes = [1, 4096], strides = [1, 1]} : vector<3x4096xf32> to vector<1x4096xf32>
    %sub3A_24 = vector.broadcast %slice3A : vector<256x1xf32> to vector<256x4096xf32>
    %sub3A_25 = vector.broadcast %slice3A_23 : vector<1x4096xf32> to vector<256x4096xf32>
    %sub3A_26 = arith.subf %sub3A_24, %sub3A_25 : vector<256x4096xf32>
    %integer_pow3A = arith.mulf %sub3A_26, %sub3A_26 : vector<256x4096xf32>
    %slice3A_27 = vector.extract_strided_slice %get3A_22 {offsets = [0, 1], sizes = [256, 1], strides = [1, 1]} : vector<256x3xf32> to vector<256x1xf32>
    %slice3A_28 = vector.extract_strided_slice %get3A_19 {offsets = [1, 0], sizes = [1, 4096], strides = [1, 1]} : vector<3x4096xf32> to vector<1x4096xf32>
    %sub3A_29 = vector.broadcast %slice3A_27 : vector<256x1xf32> to vector<256x4096xf32>
    %sub3A_30 = vector.broadcast %slice3A_28 : vector<1x4096xf32> to vector<256x4096xf32>
    %sub3A_31 = arith.subf %sub3A_29, %sub3A_30 : vector<256x4096xf32>
    %integer_pow3A_32 = arith.mulf %sub3A_31, %sub3A_31 : vector<256x4096xf32>
    %add3A = arith.addf %integer_pow3A, %integer_pow3A_32 : vector<256x4096xf32>
    %slice3A_33 = vector.extract_strided_slice %get3A_22 {offsets = [0, 2], sizes = [256, 1], strides = [1, 1]} : vector<256x3xf32> to vector<256x1xf32>
    %slice3A_34 = vector.extract_strided_slice %get3A_19 {offsets = [2, 0], sizes = [1, 4096], strides = [1, 1]} : vector<3x4096xf32> to vector<1x4096xf32>
    %sub3A_35 = vector.broadcast %slice3A_33 : vector<256x1xf32> to vector<256x4096xf32>
    %sub3A_36 = vector.broadcast %slice3A_34 : vector<1x4096xf32> to vector<256x4096xf32>
    %sub3A_37 = arith.subf %sub3A_35, %sub3A_36 : vector<256x4096xf32>
    %integer_pow3A_38 = arith.mulf %sub3A_37, %sub3A_37 : vector<256x4096xf32>
    %add3A_39 = arith.addf %add3A, %integer_pow3A_38 : vector<256x4096xf32>
    %iota3A = tpu.iota {dimensions = array<i32: 1>} : vector<256x4096xi32>
    %mul3A = arith.constant 4096 : i32
    %mul3A_40 = arith.muli %select_n3A, %mul3A : i32
    %reduce_min3A = arith.constant dense<0x7F800000> : vector<256xf32>
    %reduce_min3A_41 = vector.multi_reduction <minimumf>, %add3A_39, %reduce_min3A [1] : vector<256x4096xf32> to vector<256xf32>
    %broadcast_in_dim3A = vector.shape_cast %reduce_min3A_41 : vector<256xf32> to vector<256x1xf32>
    %eq3A = vector.broadcast %broadcast_in_dim3A : vector<256x1xf32> to vector<256x4096xf32>
    %eq3A_42 = arith.cmpf oeq, %add3A_39, %eq3A : vector<256x4096xf32>
    %jit3A_43 = arith.constant 1073741824 : i32
    %broadcast_in_dim3A_44 = vector.broadcast %jit3A_43 : i32 to vector<256x4096xi32>
    %select_n3A_45 = arith.select %eq3A_42, %iota3A, %broadcast_in_dim3A_44 : vector<256x4096xi1>, vector<256x4096xi32>
    %reduce_min3A_46 = arith.constant dense<2147483647> : vector<256xi32>
    %reduce_min3A_47 = vector.multi_reduction <minsi>, %select_n3A_45, %reduce_min3A_46 [1] : vector<256x4096xi32> to vector<256xi32>
    %broadcast_in_dim3A_48 = vector.shape_cast %reduce_min3A_47 : vector<256xi32> to vector<256x1xi32>
    %add3A_49 = vector.broadcast %mul3A_40 : i32 to vector<256x1xi32>
    %add3A_50 = arith.addi %broadcast_in_dim3A_48, %add3A_49 : vector<256x1xi32>
    %swap3A = arith.constant 0 : index
    %swap3A_51 = arith.constant 0 : index
    %swap3A_52 = vector.load %arg3[%swap3A, %swap3A_51] : memref<256x32xi32, #tpu.memory_space<vmem>>, vector<256x1xi32>
    tpu.vector_store %arg3[%swap3A, %swap3A_51], %add3A_50 {strides = array<i32>} : memref<256x32xi32, #tpu.memory_space<vmem>>, vector<256x1xi32>,
    %eq3A_53 = vector.broadcast %broadcast_in_dim3A_48 : vector<256x1xi32> to vector<256x4096xi32>
    %eq3A_54 = arith.cmpi eq, %iota3A, %eq3A_53 : vector<256x4096xi32>
    %jit3A_55 = arith.constant 0x7F800000 : f32
    %broadcast_in_dim3A_56 = vector.broadcast %jit3A_55 : f32 to vector<256x4096xf32>
    %select_n3A_57 = arith.select %eq3A_54, %broadcast_in_dim3A_56, %add3A_39 : vector<256x4096xi1>, vector<256x4096xf32>
    %reduce_min3A_58 = arith.constant dense<0x7F800000> : vector<256xf32>
    %reduce_min3A_59 = vector.multi_reduction <minimumf>, %select_n3A_57, %reduce_min3A_58 [1] : vector<256x4096xf32> to vector<256xf32>
    %broadcast_in_dim3A_60 = vector.shape_cast %reduce_min3A_59 : vector<256xf32> to vector<256x1xf32>
    %eq3A_61 = vector.broadcast %broadcast_in_dim3A_60 : vector<256x1xf32> to vector<256x4096xf32>
    %eq3A_62 = arith.cmpf oeq, %select_n3A_57, %eq3A_61 : vector<256x4096xf32>
    %jit3A_63 = arith.constant 1073741824 : i32
    %broadcast_in_dim3A_64 = vector.broadcast %jit3A_63 : i32 to vector<256x4096xi32>
    %select_n3A_65 = arith.select %eq3A_62, %iota3A, %broadcast_in_dim3A_64 : vector<256x4096xi1>, vector<256x4096xi32>
    %reduce_min3A_66 = arith.constant dense<2147483647> : vector<256xi32>
    %reduce_min3A_67 = vector.multi_reduction <minsi>, %select_n3A_65, %reduce_min3A_66 [1] : vector<256x4096xi32> to vector<256xi32>
    %broadcast_in_dim3A_68 = vector.shape_cast %reduce_min3A_67 : vector<256xi32> to vector<256x1xi32>
    %add3A_69 = vector.broadcast %mul3A_40 : i32 to vector<256x1xi32>
    %add3A_70 = arith.addi %broadcast_in_dim3A_68, %add3A_69 : vector<256x1xi32>
    %swap3A_71 = arith.constant 0 : index
    %swap3A_72 = arith.constant 1 : index
    %swap3A_73 = vector.load %arg3[%swap3A_71, %swap3A_72] : memref<256x32xi32, #tpu.memory_space<vmem>>, vector<256x1xi32>
    tpu.vector_store %arg3[%swap3A_71, %swap3A_72], %add3A_70 {strides = array<i32>} : memref<256x32xi32, #tpu.memory_space<vmem>>, vector<256x1xi32>,
    %eq3A_74 = vector.broadcast %broadcast_in_dim3A_68 : vector<256x1xi32> to vector<256x4096xi32>
    %eq3A_75 = arith.cmpi eq, %iota3A, %eq3A_74 : vector<256x4096xi32>
    %jit3A_76 = arith.constant 0x7F800000 : f32
    %broadcast_in_dim3A_77 = vector.broadcast %jit3A_76 : f32 to vector<256x4096xf32>
    %select_n3A_78 = arith.select %eq3A_75, %broadcast_in_dim3A_77, %select_n3A_57 : vector<256x4096xi1>, vector<256x4096xf32>
    %reduce_min3A_79 = arith.constant dense<0x7F800000> : vector<256xf32>
    %reduce_min3A_80 = vector.multi_reduction <minimumf>, %select_n3A_78, %reduce_min3A_79 [1] : vector<256x4096xf32> to vector<256xf32>
    %broadcast_in_dim3A_81 = vector.shape_cast %reduce_min3A_80 : vector<256xf32> to vector<256x1xf32>
    %eq3A_82 = vector.broadcast %broadcast_in_dim3A_81 : vector<256x1xf32> to vector<256x4096xf32>
    %eq3A_83 = arith.cmpf oeq, %select_n3A_78, %eq3A_82 : vector<256x4096xf32>
    %jit3A_84 = arith.constant 1073741824 : i32
    %broadcast_in_dim3A_85 = vector.broadcast %jit3A_84 : i32 to vector<256x4096xi32>
    %select_n3A_86 = arith.select %eq3A_83, %iota3A, %broadcast_in_dim3A_85 : vector<256x4096xi1>, vector<256x4096xi32>
    %reduce_min3A_87 = arith.constant dense<2147483647> : vector<256xi32>
    %reduce_min3A_88 = vector.multi_reduction <minsi>, %select_n3A_86, %reduce_min3A_87 [1] : vector<256x4096xi32> to vector<256xi32>
    %broadcast_in_dim3A_89 = vector.shape_cast %reduce_min3A_88 : vector<256xi32> to vector<256x1xi32>
    %add3A_90 = vector.broadcast %mul3A_40 : i32 to vector<256x1xi32>
    %add3A_91 = arith.addi %broadcast_in_dim3A_89, %add3A_90 : vector<256x1xi32>
    %swap3A_92 = arith.constant 0 : index
    %swap3A_93 = arith.constant 2 : index
    %swap3A_94 = vector.load %arg3[%swap3A_92, %swap3A_93] : memref<256x32xi32, #tpu.memory_space<vmem>>, vector<256x1xi32>
    tpu.vector_store %arg3[%swap3A_92, %swap3A_93], %add3A_91 {strides = array<i32>} : memref<256x32xi32, #tpu.memory_space<vmem>>, vector<256x1xi32>,
    %eq3A_95 = vector.broadcast %broadcast_in_dim3A_89 : vector<256x1xi32> to vector<256x4096xi32>
    %eq3A_96 = arith.cmpi eq, %iota3A, %eq3A_95 : vector<256x4096xi32>
    %jit3A_97 = arith.constant 0x7F800000 : f32
    %broadcast_in_dim3A_98 = vector.broadcast %jit3A_97 : f32 to vector<256x4096xf32>
    %select_n3A_99 = arith.select %eq3A_96, %broadcast_in_dim3A_98, %select_n3A_78 : vector<256x4096xi1>, vector<256x4096xf32>
    %reduce_min3A_100 = arith.constant dense<0x7F800000> : vector<256xf32>
    %reduce_min3A_101 = vector.multi_reduction <minimumf>, %select_n3A_99, %reduce_min3A_100 [1] : vector<256x4096xf32> to vector<256xf32>
    %broadcast_in_dim3A_102 = vector.shape_cast %reduce_min3A_101 : vector<256xf32> to vector<256x1xf32>
    %eq3A_103 = vector.broadcast %broadcast_in_dim3A_102 : vector<256x1xf32> to vector<256x4096xf32>
    %eq3A_104 = arith.cmpf oeq, %select_n3A_99, %eq3A_103 : vector<256x4096xf32>
    %jit3A_105 = arith.constant 1073741824 : i32
    %broadcast_in_dim3A_106 = vector.broadcast %jit3A_105 : i32 to vector<256x4096xi32>
    %select_n3A_107 = arith.select %eq3A_104, %iota3A, %broadcast_in_dim3A_106 : vector<256x4096xi1>, vector<256x4096xi32>
    %reduce_min3A_108 = arith.constant dense<2147483647> : vector<256xi32>
    %reduce_min3A_109 = vector.multi_reduction <minsi>, %select_n3A_107, %reduce_min3A_108 [1] : vector<256x4096xi32> to vector<256xi32>
    %broadcast_in_dim3A_110 = vector.shape_cast %reduce_min3A_109 : vector<256xi32> to vector<256x1xi32>
    %add3A_111 = vector.broadcast %mul3A_40 : i32 to vector<256x1xi32>
    %add3A_112 = arith.addi %broadcast_in_dim3A_110, %add3A_111 : vector<256x1xi32>
    %swap3A_113 = arith.constant 0 : index
    %swap3A_114 = arith.constant 3 : index
    %swap3A_115 = vector.load %arg3[%swap3A_113, %swap3A_114] : memref<256x32xi32, #tpu.memory_space<vmem>>, vector<256x1xi32>
    tpu.vector_store %arg3[%swap3A_113, %swap3A_114], %add3A_112 {strides = array<i32>} : memref<256x32xi32, #tpu.memory_space<vmem>>, vector<256x1xi32>,
    %eq3A_116 = vector.broadcast %broadcast_in_dim3A_110 : vector<256x1xi32> to vector<256x4096xi32>
    %eq3A_117 = arith.cmpi eq, %iota3A, %eq3A_116 : vector<256x4096xi32>
    %jit3A_118 = arith.constant 0x7F800000 : f32
    %broadcast_in_dim3A_119 = vector.broadcast %jit3A_118 : f32 to vector<256x4096xf32>
    %select_n3A_120 = arith.select %eq3A_117, %broadcast_in_dim3A_119, %select_n3A_99 : vector<256x4096xi1>, vector<256x4096xf32>
    %reduce_min3A_121 = arith.constant dense<0x7F800000> : vector<256xf32>
    %reduce_min3A_122 = vector.multi_reduction <minimumf>, %select_n3A_120, %reduce_min3A_121 [1] : vector<256x4096xf32> to vector<256xf32>
    %broadcast_in_dim3A_123 = vector.shape_cast %reduce_min3A_122 : vector<256xf32> to vector<256x1xf32>
    %eq3A_124 = vector.broadcast %broadcast_in_dim3A_123 : vector<256x1xf32> to vector<256x4096xf32>
    %eq3A_125 = arith.cmpf oeq, %select_n3A_120, %eq3A_124 : vector<256x4096xf32>
    %jit3A_126 = arith.constant 1073741824 : i32
    %broadcast_in_dim3A_127 = vector.broadcast %jit3A_126 : i32 to vector<256x4096xi32>
    %select_n3A_128 = arith.select %eq3A_125, %iota3A, %broadcast_in_dim3A_127 : vector<256x4096xi1>, vector<256x4096xi32>
    %reduce_min3A_129 = arith.constant dense<2147483647> : vector<256xi32>
    %reduce_min3A_130 = vector.multi_reduction <minsi>, %select_n3A_128, %reduce_min3A_129 [1] : vector<256x4096xi32> to vector<256xi32>
    %broadcast_in_dim3A_131 = vector.shape_cast %reduce_min3A_130 : vector<256xi32> to vector<256x1xi32>
    %add3A_132 = vector.broadcast %mul3A_40 : i32 to vector<256x1xi32>
    %add3A_133 = arith.addi %broadcast_in_dim3A_131, %add3A_132 : vector<256x1xi32>
    %swap3A_134 = arith.constant 0 : index
    %swap3A_135 = arith.constant 4 : index
    %swap3A_136 = vector.load %arg3[%swap3A_134, %swap3A_135] : memref<256x32xi32, #tpu.memory_space<vmem>>, vector<256x1xi32>
    tpu.vector_store %arg3[%swap3A_134, %swap3A_135], %add3A_133 {strides = array<i32>} : memref<256x32xi32, #tpu.memory_space<vmem>>, vector<256x1xi32>,
    %eq3A_137 = vector.broadcast %broadcast_in_dim3A_131 : vector<256x1xi32> to vector<256x4096xi32>
    %eq3A_138 = arith.cmpi eq, %iota3A, %eq3A_137 : vector<256x4096xi32>
    %jit3A_139 = arith.constant 0x7F800000 : f32
    %broadcast_in_dim3A_140 = vector.broadcast %jit3A_139 : f32 to vector<256x4096xf32>
    %select_n3A_141 = arith.select %eq3A_138, %broadcast_in_dim3A_140, %select_n3A_120 : vector<256x4096xi1>, vector<256x4096xf32>
    %reduce_min3A_142 = arith.constant dense<0x7F800000> : vector<256xf32>
    %reduce_min3A_143 = vector.multi_reduction <minimumf>, %select_n3A_141, %reduce_min3A_142 [1] : vector<256x4096xf32> to vector<256xf32>
    %broadcast_in_dim3A_144 = vector.shape_cast %reduce_min3A_143 : vector<256xf32> to vector<256x1xf32>
    %eq3A_145 = vector.broadcast %broadcast_in_dim3A_144 : vector<256x1xf32> to vector<256x4096xf32>
    %eq3A_146 = arith.cmpf oeq, %select_n3A_141, %eq3A_145 : vector<256x4096xf32>
    %jit3A_147 = arith.constant 1073741824 : i32
    %broadcast_in_dim3A_148 = vector.broadcast %jit3A_147 : i32 to vector<256x4096xi32>
    %select_n3A_149 = arith.select %eq3A_146, %iota3A, %broadcast_in_dim3A_148 : vector<256x4096xi1>, vector<256x4096xi32>
    %reduce_min3A_150 = arith.constant dense<2147483647> : vector<256xi32>
    %reduce_min3A_151 = vector.multi_reduction <minsi>, %select_n3A_149, %reduce_min3A_150 [1] : vector<256x4096xi32> to vector<256xi32>
    %broadcast_in_dim3A_152 = vector.shape_cast %reduce_min3A_151 : vector<256xi32> to vector<256x1xi32>
    %add3A_153 = vector.broadcast %mul3A_40 : i32 to vector<256x1xi32>
    %add3A_154 = arith.addi %broadcast_in_dim3A_152, %add3A_153 : vector<256x1xi32>
    %swap3A_155 = arith.constant 0 : index
    %swap3A_156 = arith.constant 5 : index
    %swap3A_157 = vector.load %arg3[%swap3A_155, %swap3A_156] : memref<256x32xi32, #tpu.memory_space<vmem>>, vector<256x1xi32>
    tpu.vector_store %arg3[%swap3A_155, %swap3A_156], %add3A_154 {strides = array<i32>} : memref<256x32xi32, #tpu.memory_space<vmem>>, vector<256x1xi32>,
    %eq3A_158 = vector.broadcast %broadcast_in_dim3A_152 : vector<256x1xi32> to vector<256x4096xi32>
    %eq3A_159 = arith.cmpi eq, %iota3A, %eq3A_158 : vector<256x4096xi32>
    %jit3A_160 = arith.constant 0x7F800000 : f32
    %broadcast_in_dim3A_161 = vector.broadcast %jit3A_160 : f32 to vector<256x4096xf32>
    %select_n3A_162 = arith.select %eq3A_159, %broadcast_in_dim3A_161, %select_n3A_141 : vector<256x4096xi1>, vector<256x4096xf32>
    %reduce_min3A_163 = arith.constant dense<0x7F800000> : vector<256xf32>
    %reduce_min3A_164 = vector.multi_reduction <minimumf>, %select_n3A_162, %reduce_min3A_163 [1] : vector<256x4096xf32> to vector<256xf32>
    %broadcast_in_dim3A_165 = vector.shape_cast %reduce_min3A_164 : vector<256xf32> to vector<256x1xf32>
    %eq3A_166 = vector.broadcast %broadcast_in_dim3A_165 : vector<256x1xf32> to vector<256x4096xf32>
    %eq3A_167 = arith.cmpf oeq, %select_n3A_162, %eq3A_166 : vector<256x4096xf32>
    %jit3A_168 = arith.constant 1073741824 : i32
    %broadcast_in_dim3A_169 = vector.broadcast %jit3A_168 : i32 to vector<256x4096xi32>
    %select_n3A_170 = arith.select %eq3A_167, %iota3A, %broadcast_in_dim3A_169 : vector<256x4096xi1>, vector<256x4096xi32>
    %reduce_min3A_171 = arith.constant dense<2147483647> : vector<256xi32>
    %reduce_min3A_172 = vector.multi_reduction <minsi>, %select_n3A_170, %reduce_min3A_171 [1] : vector<256x4096xi32> to vector<256xi32>
    %broadcast_in_dim3A_173 = vector.shape_cast %reduce_min3A_172 : vector<256xi32> to vector<256x1xi32>
    %add3A_174 = vector.broadcast %mul3A_40 : i32 to vector<256x1xi32>
    %add3A_175 = arith.addi %broadcast_in_dim3A_173, %add3A_174 : vector<256x1xi32>
    %swap3A_176 = arith.constant 0 : index
    %swap3A_177 = arith.constant 6 : index
    %swap3A_178 = vector.load %arg3[%swap3A_176, %swap3A_177] : memref<256x32xi32, #tpu.memory_space<vmem>>, vector<256x1xi32>
    tpu.vector_store %arg3[%swap3A_176, %swap3A_177], %add3A_175 {strides = array<i32>} : memref<256x32xi32, #tpu.memory_space<vmem>>, vector<256x1xi32>,
    %eq3A_179 = vector.broadcast %broadcast_in_dim3A_173 : vector<256x1xi32> to vector<256x4096xi32>
    %eq3A_180 = arith.cmpi eq, %iota3A, %eq3A_179 : vector<256x4096xi32>
    %jit3A_181 = arith.constant 0x7F800000 : f32
    %broadcast_in_dim3A_182 = vector.broadcast %jit3A_181 : f32 to vector<256x4096xf32>
    %select_n3A_183 = arith.select %eq3A_180, %broadcast_in_dim3A_182, %select_n3A_162 : vector<256x4096xi1>, vector<256x4096xf32>
    %reduce_min3A_184 = arith.constant dense<0x7F800000> : vector<256xf32>
    %reduce_min3A_185 = vector.multi_reduction <minimumf>, %select_n3A_183, %reduce_min3A_184 [1] : vector<256x4096xf32> to vector<256xf32>
    %broadcast_in_dim3A_186 = vector.shape_cast %reduce_min3A_185 : vector<256xf32> to vector<256x1xf32>
    %eq3A_187 = vector.broadcast %broadcast_in_dim3A_186 : vector<256x1xf32> to vector<256x4096xf32>
    %eq3A_188 = arith.cmpf oeq, %select_n3A_183, %eq3A_187 : vector<256x4096xf32>
    %jit3A_189 = arith.constant 1073741824 : i32
    %broadcast_in_dim3A_190 = vector.broadcast %jit3A_189 : i32 to vector<256x4096xi32>
    %select_n3A_191 = arith.select %eq3A_188, %iota3A, %broadcast_in_dim3A_190 : vector<256x4096xi1>, vector<256x4096xi32>
    %reduce_min3A_192 = arith.constant dense<2147483647> : vector<256xi32>
    %reduce_min3A_193 = vector.multi_reduction <minsi>, %select_n3A_191, %reduce_min3A_192 [1] : vector<256x4096xi32> to vector<256xi32>
    %broadcast_in_dim3A_194 = vector.shape_cast %reduce_min3A_193 : vector<256xi32> to vector<256x1xi32>
    %add3A_195 = vector.broadcast %mul3A_40 : i32 to vector<256x1xi32>
    %add3A_196 = arith.addi %broadcast_in_dim3A_194, %add3A_195 : vector<256x1xi32>
    %swap3A_197 = arith.constant 0 : index
    %swap3A_198 = arith.constant 7 : index
    %swap3A_199 = vector.load %arg3[%swap3A_197, %swap3A_198] : memref<256x32xi32, #tpu.memory_space<vmem>>, vector<256x1xi32>
    tpu.vector_store %arg3[%swap3A_197, %swap3A_198], %add3A_196 {strides = array<i32>} : memref<256x32xi32, #tpu.memory_space<vmem>>, vector<256x1xi32>,
    %eq3A_200 = vector.broadcast %broadcast_in_dim3A_194 : vector<256x1xi32> to vector<256x4096xi32>
    %eq3A_201 = arith.cmpi eq, %iota3A, %eq3A_200 : vector<256x4096xi32>
    %jit3A_202 = arith.constant 0x7F800000 : f32
    %broadcast_in_dim3A_203 = vector.broadcast %jit3A_202 : f32 to vector<256x4096xf32>
    %select_n3A_204 = arith.select %eq3A_201, %broadcast_in_dim3A_203, %select_n3A_183 : vector<256x4096xi1>, vector<256x4096xf32>
    %reduce_min3A_205 = arith.constant dense<0x7F800000> : vector<256xf32>
    %reduce_min3A_206 = vector.multi_reduction <minimumf>, %select_n3A_204, %reduce_min3A_205 [1] : vector<256x4096xf32> to vector<256xf32>
    %broadcast_in_dim3A_207 = vector.shape_cast %reduce_min3A_206 : vector<256xf32> to vector<256x1xf32>
    %eq3A_208 = vector.broadcast %broadcast_in_dim3A_207 : vector<256x1xf32> to vector<256x4096xf32>
    %eq3A_209 = arith.cmpf oeq, %select_n3A_204, %eq3A_208 : vector<256x4096xf32>
    %jit3A_210 = arith.constant 1073741824 : i32
    %broadcast_in_dim3A_211 = vector.broadcast %jit3A_210 : i32 to vector<256x4096xi32>
    %select_n3A_212 = arith.select %eq3A_209, %iota3A, %broadcast_in_dim3A_211 : vector<256x4096xi1>, vector<256x4096xi32>
    %reduce_min3A_213 = arith.constant dense<2147483647> : vector<256xi32>
    %reduce_min3A_214 = vector.multi_reduction <minsi>, %select_n3A_212, %reduce_min3A_213 [1] : vector<256x4096xi32> to vector<256xi32>
    %broadcast_in_dim3A_215 = vector.shape_cast %reduce_min3A_214 : vector<256xi32> to vector<256x1xi32>
    %add3A_216 = vector.broadcast %mul3A_40 : i32 to vector<256x1xi32>
    %add3A_217 = arith.addi %broadcast_in_dim3A_215, %add3A_216 : vector<256x1xi32>
    %swap3A_218 = arith.constant 0 : index
    %swap3A_219 = arith.constant 8 : index
    %swap3A_220 = vector.load %arg3[%swap3A_218, %swap3A_219] : memref<256x32xi32, #tpu.memory_space<vmem>>, vector<256x1xi32>
    tpu.vector_store %arg3[%swap3A_218, %swap3A_219], %add3A_217 {strides = array<i32>} : memref<256x32xi32, #tpu.memory_space<vmem>>, vector<256x1xi32>,
    %eq3A_221 = vector.broadcast %broadcast_in_dim3A_215 : vector<256x1xi32> to vector<256x4096xi32>
    %eq3A_222 = arith.cmpi eq, %iota3A, %eq3A_221 : vector<256x4096xi32>
    %jit3A_223 = arith.constant 0x7F800000 : f32
    %broadcast_in_dim3A_224 = vector.broadcast %jit3A_223 : f32 to vector<256x4096xf32>
    %select_n3A_225 = arith.select %eq3A_222, %broadcast_in_dim3A_224, %select_n3A_204 : vector<256x4096xi1>, vector<256x4096xf32>
    %reduce_min3A_226 = arith.constant dense<0x7F800000> : vector<256xf32>
    %reduce_min3A_227 = vector.multi_reduction <minimumf>, %select_n3A_225, %reduce_min3A_226 [1] : vector<256x4096xf32> to vector<256xf32>
    %broadcast_in_dim3A_228 = vector.shape_cast %reduce_min3A_227 : vector<256xf32> to vector<256x1xf32>
    %eq3A_229 = vector.broadcast %broadcast_in_dim3A_228 : vector<256x1xf32> to vector<256x4096xf32>
    %eq3A_230 = arith.cmpf oeq, %select_n3A_225, %eq3A_229 : vector<256x4096xf32>
    %jit3A_231 = arith.constant 1073741824 : i32
    %broadcast_in_dim3A_232 = vector.broadcast %jit3A_231 : i32 to vector<256x4096xi32>
    %select_n3A_233 = arith.select %eq3A_230, %iota3A, %broadcast_in_dim3A_232 : vector<256x4096xi1>, vector<256x4096xi32>
    %reduce_min3A_234 = arith.constant dense<2147483647> : vector<256xi32>
    %reduce_min3A_235 = vector.multi_reduction <minsi>, %select_n3A_233, %reduce_min3A_234 [1] : vector<256x4096xi32> to vector<256xi32>
    %broadcast_in_dim3A_236 = vector.shape_cast %reduce_min3A_235 : vector<256xi32> to vector<256x1xi32>
    %add3A_237 = vector.broadcast %mul3A_40 : i32 to vector<256x1xi32>
    %add3A_238 = arith.addi %broadcast_in_dim3A_236, %add3A_237 : vector<256x1xi32>
    %swap3A_239 = arith.constant 0 : index
    %swap3A_240 = arith.constant 9 : index
    %swap3A_241 = vector.load %arg3[%swap3A_239, %swap3A_240] : memref<256x32xi32, #tpu.memory_space<vmem>>, vector<256x1xi32>
    tpu.vector_store %arg3[%swap3A_239, %swap3A_240], %add3A_238 {strides = array<i32>} : memref<256x32xi32, #tpu.memory_space<vmem>>, vector<256x1xi32>,
    %eq3A_242 = vector.broadcast %broadcast_in_dim3A_236 : vector<256x1xi32> to vector<256x4096xi32>
    %eq3A_243 = arith.cmpi eq, %iota3A, %eq3A_242 : vector<256x4096xi32>
    %jit3A_244 = arith.constant 0x7F800000 : f32
    %broadcast_in_dim3A_245 = vector.broadcast %jit3A_244 : f32 to vector<256x4096xf32>
    %select_n3A_246 = arith.select %eq3A_243, %broadcast_in_dim3A_245, %select_n3A_225 : vector<256x4096xi1>, vector<256x4096xf32>
    %reduce_min3A_247 = arith.constant dense<0x7F800000> : vector<256xf32>
    %reduce_min3A_248 = vector.multi_reduction <minimumf>, %select_n3A_246, %reduce_min3A_247 [1] : vector<256x4096xf32> to vector<256xf32>
    %broadcast_in_dim3A_249 = vector.shape_cast %reduce_min3A_248 : vector<256xf32> to vector<256x1xf32>
    %eq3A_250 = vector.broadcast %broadcast_in_dim3A_249 : vector<256x1xf32> to vector<256x4096xf32>
    %eq3A_251 = arith.cmpf oeq, %select_n3A_246, %eq3A_250 : vector<256x4096xf32>
    %jit3A_252 = arith.constant 1073741824 : i32
    %broadcast_in_dim3A_253 = vector.broadcast %jit3A_252 : i32 to vector<256x4096xi32>
    %select_n3A_254 = arith.select %eq3A_251, %iota3A, %broadcast_in_dim3A_253 : vector<256x4096xi1>, vector<256x4096xi32>
    %reduce_min3A_255 = arith.constant dense<2147483647> : vector<256xi32>
    %reduce_min3A_256 = vector.multi_reduction <minsi>, %select_n3A_254, %reduce_min3A_255 [1] : vector<256x4096xi32> to vector<256xi32>
    %broadcast_in_dim3A_257 = vector.shape_cast %reduce_min3A_256 : vector<256xi32> to vector<256x1xi32>
    %add3A_258 = vector.broadcast %mul3A_40 : i32 to vector<256x1xi32>
    %add3A_259 = arith.addi %broadcast_in_dim3A_257, %add3A_258 : vector<256x1xi32>
    %swap3A_260 = arith.constant 0 : index
    %swap3A_261 = arith.constant 10 : index
    %swap3A_262 = vector.load %arg3[%swap3A_260, %swap3A_261] : memref<256x32xi32, #tpu.memory_space<vmem>>, vector<256x1xi32>
    tpu.vector_store %arg3[%swap3A_260, %swap3A_261], %add3A_259 {strides = array<i32>} : memref<256x32xi32, #tpu.memory_space<vmem>>, vector<256x1xi32>,
    %eq3A_263 = vector.broadcast %broadcast_in_dim3A_257 : vector<256x1xi32> to vector<256x4096xi32>
    %eq3A_264 = arith.cmpi eq, %iota3A, %eq3A_263 : vector<256x4096xi32>
    %jit3A_265 = arith.constant 0x7F800000 : f32
    %broadcast_in_dim3A_266 = vector.broadcast %jit3A_265 : f32 to vector<256x4096xf32>
    %select_n3A_267 = arith.select %eq3A_264, %broadcast_in_dim3A_266, %select_n3A_246 : vector<256x4096xi1>, vector<256x4096xf32>
    %reduce_min3A_268 = arith.constant dense<0x7F800000> : vector<256xf32>
    %reduce_min3A_269 = vector.multi_reduction <minimumf>, %select_n3A_267, %reduce_min3A_268 [1] : vector<256x4096xf32> to vector<256xf32>
    %broadcast_in_dim3A_270 = vector.shape_cast %reduce_min3A_269 : vector<256xf32> to vector<256x1xf32>
    %eq3A_271 = vector.broadcast %broadcast_in_dim3A_270 : vector<256x1xf32> to vector<256x4096xf32>
    %eq3A_272 = arith.cmpf oeq, %select_n3A_267, %eq3A_271 : vector<256x4096xf32>
    %jit3A_273 = arith.constant 1073741824 : i32
    %broadcast_in_dim3A_274 = vector.broadcast %jit3A_273 : i32 to vector<256x4096xi32>
    %select_n3A_275 = arith.select %eq3A_272, %iota3A, %broadcast_in_dim3A_274 : vector<256x4096xi1>, vector<256x4096xi32>
    %reduce_min3A_276 = arith.constant dense<2147483647> : vector<256xi32>
    %reduce_min3A_277 = vector.multi_reduction <minsi>, %select_n3A_275, %reduce_min3A_276 [1] : vector<256x4096xi32> to vector<256xi32>
    %broadcast_in_dim3A_278 = vector.shape_cast %reduce_min3A_277 : vector<256xi32> to vector<256x1xi32>
    %add3A_279 = vector.broadcast %mul3A_40 : i32 to vector<256x1xi32>
    %add3A_280 = arith.addi %broadcast_in_dim3A_278, %add3A_279 : vector<256x1xi32>
    %swap3A_281 = arith.constant 0 : index
    %swap3A_282 = arith.constant 11 : index
    %swap3A_283 = vector.load %arg3[%swap3A_281, %swap3A_282] : memref<256x32xi32, #tpu.memory_space<vmem>>, vector<256x1xi32>
    tpu.vector_store %arg3[%swap3A_281, %swap3A_282], %add3A_280 {strides = array<i32>} : memref<256x32xi32, #tpu.memory_space<vmem>>, vector<256x1xi32>,
    %eq3A_284 = vector.broadcast %broadcast_in_dim3A_278 : vector<256x1xi32> to vector<256x4096xi32>
    %eq3A_285 = arith.cmpi eq, %iota3A, %eq3A_284 : vector<256x4096xi32>
    %jit3A_286 = arith.constant 0x7F800000 : f32
    %broadcast_in_dim3A_287 = vector.broadcast %jit3A_286 : f32 to vector<256x4096xf32>
    %select_n3A_288 = arith.select %eq3A_285, %broadcast_in_dim3A_287, %select_n3A_267 : vector<256x4096xi1>, vector<256x4096xf32>
    %reduce_min3A_289 = arith.constant dense<0x7F800000> : vector<256xf32>
    %reduce_min3A_290 = vector.multi_reduction <minimumf>, %select_n3A_288, %reduce_min3A_289 [1] : vector<256x4096xf32> to vector<256xf32>
    %broadcast_in_dim3A_291 = vector.shape_cast %reduce_min3A_290 : vector<256xf32> to vector<256x1xf32>
    %eq3A_292 = vector.broadcast %broadcast_in_dim3A_291 : vector<256x1xf32> to vector<256x4096xf32>
    %eq3A_293 = arith.cmpf oeq, %select_n3A_288, %eq3A_292 : vector<256x4096xf32>
    %jit3A_294 = arith.constant 1073741824 : i32
    %broadcast_in_dim3A_295 = vector.broadcast %jit3A_294 : i32 to vector<256x4096xi32>
    %select_n3A_296 = arith.select %eq3A_293, %iota3A, %broadcast_in_dim3A_295 : vector<256x4096xi1>, vector<256x4096xi32>
    %reduce_min3A_297 = arith.constant dense<2147483647> : vector<256xi32>
    %reduce_min3A_298 = vector.multi_reduction <minsi>, %select_n3A_296, %reduce_min3A_297 [1] : vector<256x4096xi32> to vector<256xi32>
    %broadcast_in_dim3A_299 = vector.shape_cast %reduce_min3A_298 : vector<256xi32> to vector<256x1xi32>
    %add3A_300 = vector.broadcast %mul3A_40 : i32 to vector<256x1xi32>
    %add3A_301 = arith.addi %broadcast_in_dim3A_299, %add3A_300 : vector<256x1xi32>
    %swap3A_302 = arith.constant 0 : index
    %swap3A_303 = arith.constant 12 : index
    %swap3A_304 = vector.load %arg3[%swap3A_302, %swap3A_303] : memref<256x32xi32, #tpu.memory_space<vmem>>, vector<256x1xi32>
    tpu.vector_store %arg3[%swap3A_302, %swap3A_303], %add3A_301 {strides = array<i32>} : memref<256x32xi32, #tpu.memory_space<vmem>>, vector<256x1xi32>,
    %eq3A_305 = vector.broadcast %broadcast_in_dim3A_299 : vector<256x1xi32> to vector<256x4096xi32>
    %eq3A_306 = arith.cmpi eq, %iota3A, %eq3A_305 : vector<256x4096xi32>
    %jit3A_307 = arith.constant 0x7F800000 : f32
    %broadcast_in_dim3A_308 = vector.broadcast %jit3A_307 : f32 to vector<256x4096xf32>
    %select_n3A_309 = arith.select %eq3A_306, %broadcast_in_dim3A_308, %select_n3A_288 : vector<256x4096xi1>, vector<256x4096xf32>
    %reduce_min3A_310 = arith.constant dense<0x7F800000> : vector<256xf32>
    %reduce_min3A_311 = vector.multi_reduction <minimumf>, %select_n3A_309, %reduce_min3A_310 [1] : vector<256x4096xf32> to vector<256xf32>
    %broadcast_in_dim3A_312 = vector.shape_cast %reduce_min3A_311 : vector<256xf32> to vector<256x1xf32>
    %eq3A_313 = vector.broadcast %broadcast_in_dim3A_312 : vector<256x1xf32> to vector<256x4096xf32>
    %eq3A_314 = arith.cmpf oeq, %select_n3A_309, %eq3A_313 : vector<256x4096xf32>
    %jit3A_315 = arith.constant 1073741824 : i32
    %broadcast_in_dim3A_316 = vector.broadcast %jit3A_315 : i32 to vector<256x4096xi32>
    %select_n3A_317 = arith.select %eq3A_314, %iota3A, %broadcast_in_dim3A_316 : vector<256x4096xi1>, vector<256x4096xi32>
    %reduce_min3A_318 = arith.constant dense<2147483647> : vector<256xi32>
    %reduce_min3A_319 = vector.multi_reduction <minsi>, %select_n3A_317, %reduce_min3A_318 [1] : vector<256x4096xi32> to vector<256xi32>
    %broadcast_in_dim3A_320 = vector.shape_cast %reduce_min3A_319 : vector<256xi32> to vector<256x1xi32>
    %add3A_321 = vector.broadcast %mul3A_40 : i32 to vector<256x1xi32>
    %add3A_322 = arith.addi %broadcast_in_dim3A_320, %add3A_321 : vector<256x1xi32>
    %swap3A_323 = arith.constant 0 : index
    %swap3A_324 = arith.constant 13 : index
    %swap3A_325 = vector.load %arg3[%swap3A_323, %swap3A_324] : memref<256x32xi32, #tpu.memory_space<vmem>>, vector<256x1xi32>
    tpu.vector_store %arg3[%swap3A_323, %swap3A_324], %add3A_322 {strides = array<i32>} : memref<256x32xi32, #tpu.memory_space<vmem>>, vector<256x1xi32>,
    %eq3A_326 = vector.broadcast %broadcast_in_dim3A_320 : vector<256x1xi32> to vector<256x4096xi32>
    %eq3A_327 = arith.cmpi eq, %iota3A, %eq3A_326 : vector<256x4096xi32>
    %jit3A_328 = arith.constant 0x7F800000 : f32
    %broadcast_in_dim3A_329 = vector.broadcast %jit3A_328 : f32 to vector<256x4096xf32>
    %select_n3A_330 = arith.select %eq3A_327, %broadcast_in_dim3A_329, %select_n3A_309 : vector<256x4096xi1>, vector<256x4096xf32>
    %reduce_min3A_331 = arith.constant dense<0x7F800000> : vector<256xf32>
    %reduce_min3A_332 = vector.multi_reduction <minimumf>, %select_n3A_330, %reduce_min3A_331 [1] : vector<256x4096xf32> to vector<256xf32>
    %broadcast_in_dim3A_333 = vector.shape_cast %reduce_min3A_332 : vector<256xf32> to vector<256x1xf32>
    %eq3A_334 = vector.broadcast %broadcast_in_dim3A_333 : vector<256x1xf32> to vector<256x4096xf32>
    %eq3A_335 = arith.cmpf oeq, %select_n3A_330, %eq3A_334 : vector<256x4096xf32>
    %jit3A_336 = arith.constant 1073741824 : i32
    %broadcast_in_dim3A_337 = vector.broadcast %jit3A_336 : i32 to vector<256x4096xi32>
    %select_n3A_338 = arith.select %eq3A_335, %iota3A, %broadcast_in_dim3A_337 : vector<256x4096xi1>, vector<256x4096xi32>
    %reduce_min3A_339 = arith.constant dense<2147483647> : vector<256xi32>
    %reduce_min3A_340 = vector.multi_reduction <minsi>, %select_n3A_338, %reduce_min3A_339 [1] : vector<256x4096xi32> to vector<256xi32>
    %broadcast_in_dim3A_341 = vector.shape_cast %reduce_min3A_340 : vector<256xi32> to vector<256x1xi32>
    %add3A_342 = vector.broadcast %mul3A_40 : i32 to vector<256x1xi32>
    %add3A_343 = arith.addi %broadcast_in_dim3A_341, %add3A_342 : vector<256x1xi32>
    %swap3A_344 = arith.constant 0 : index
    %swap3A_345 = arith.constant 14 : index
    %swap3A_346 = vector.load %arg3[%swap3A_344, %swap3A_345] : memref<256x32xi32, #tpu.memory_space<vmem>>, vector<256x1xi32>
    tpu.vector_store %arg3[%swap3A_344, %swap3A_345], %add3A_343 {strides = array<i32>} : memref<256x32xi32, #tpu.memory_space<vmem>>, vector<256x1xi32>,
    %eq3A_347 = vector.broadcast %broadcast_in_dim3A_341 : vector<256x1xi32> to vector<256x4096xi32>
    %eq3A_348 = arith.cmpi eq, %iota3A, %eq3A_347 : vector<256x4096xi32>
    %jit3A_349 = arith.constant 0x7F800000 : f32
    %broadcast_in_dim3A_350 = vector.broadcast %jit3A_349 : f32 to vector<256x4096xf32>
    %select_n3A_351 = arith.select %eq3A_348, %broadcast_in_dim3A_350, %select_n3A_330 : vector<256x4096xi1>, vector<256x4096xf32>
    %reduce_min3A_352 = arith.constant dense<0x7F800000> : vector<256xf32>
    %reduce_min3A_353 = vector.multi_reduction <minimumf>, %select_n3A_351, %reduce_min3A_352 [1] : vector<256x4096xf32> to vector<256xf32>
    %broadcast_in_dim3A_354 = vector.shape_cast %reduce_min3A_353 : vector<256xf32> to vector<256x1xf32>
    %eq3A_355 = vector.broadcast %broadcast_in_dim3A_354 : vector<256x1xf32> to vector<256x4096xf32>
    %eq3A_356 = arith.cmpf oeq, %select_n3A_351, %eq3A_355 : vector<256x4096xf32>
    %jit3A_357 = arith.constant 1073741824 : i32
    %broadcast_in_dim3A_358 = vector.broadcast %jit3A_357 : i32 to vector<256x4096xi32>
    %select_n3A_359 = arith.select %eq3A_356, %iota3A, %broadcast_in_dim3A_358 : vector<256x4096xi1>, vector<256x4096xi32>
    %reduce_min3A_360 = arith.constant dense<2147483647> : vector<256xi32>
    %reduce_min3A_361 = vector.multi_reduction <minsi>, %select_n3A_359, %reduce_min3A_360 [1] : vector<256x4096xi32> to vector<256xi32>
    %broadcast_in_dim3A_362 = vector.shape_cast %reduce_min3A_361 : vector<256xi32> to vector<256x1xi32>
    %add3A_363 = vector.broadcast %mul3A_40 : i32 to vector<256x1xi32>
    %add3A_364 = arith.addi %broadcast_in_dim3A_362, %add3A_363 : vector<256x1xi32>
    %swap3A_365 = arith.constant 0 : index
    %swap3A_366 = arith.constant 15 : index
    %swap3A_367 = vector.load %arg3[%swap3A_365, %swap3A_366] : memref<256x32xi32, #tpu.memory_space<vmem>>, vector<256x1xi32>
    tpu.vector_store %arg3[%swap3A_365, %swap3A_366], %add3A_364 {strides = array<i32>} : memref<256x32xi32, #tpu.memory_space<vmem>>, vector<256x1xi32>,
    %eq3A_368 = vector.broadcast %broadcast_in_dim3A_362 : vector<256x1xi32> to vector<256x4096xi32>
    %eq3A_369 = arith.cmpi eq, %iota3A, %eq3A_368 : vector<256x4096xi32>
    %jit3A_370 = arith.constant 0x7F800000 : f32
    %broadcast_in_dim3A_371 = vector.broadcast %jit3A_370 : f32 to vector<256x4096xf32>
    %select_n3A_372 = arith.select %eq3A_369, %broadcast_in_dim3A_371, %select_n3A_351 : vector<256x4096xi1>, vector<256x4096xf32>
    %reduce_min3A_373 = arith.constant dense<0x7F800000> : vector<256xf32>
    %reduce_min3A_374 = vector.multi_reduction <minimumf>, %select_n3A_372, %reduce_min3A_373 [1] : vector<256x4096xf32> to vector<256xf32>
    %broadcast_in_dim3A_375 = vector.shape_cast %reduce_min3A_374 : vector<256xf32> to vector<256x1xf32>
    %eq3A_376 = vector.broadcast %broadcast_in_dim3A_375 : vector<256x1xf32> to vector<256x4096xf32>
    %eq3A_377 = arith.cmpf oeq, %select_n3A_372, %eq3A_376 : vector<256x4096xf32>
    %jit3A_378 = arith.constant 1073741824 : i32
    %broadcast_in_dim3A_379 = vector.broadcast %jit3A_378 : i32 to vector<256x4096xi32>
    %select_n3A_380 = arith.select %eq3A_377, %iota3A, %broadcast_in_dim3A_379 : vector<256x4096xi1>, vector<256x4096xi32>
    %reduce_min3A_381 = arith.constant dense<2147483647> : vector<256xi32>
    %reduce_min3A_382 = vector.multi_reduction <minsi>, %select_n3A_380, %reduce_min3A_381 [1] : vector<256x4096xi32> to vector<256xi32>
    %broadcast_in_dim3A_383 = vector.shape_cast %reduce_min3A_382 : vector<256xi32> to vector<256x1xi32>
    %add3A_384 = vector.broadcast %mul3A_40 : i32 to vector<256x1xi32>
    %add3A_385 = arith.addi %broadcast_in_dim3A_383, %add3A_384 : vector<256x1xi32>
    %swap3A_386 = arith.constant 0 : index
    %swap3A_387 = arith.constant 16 : index
    %swap3A_388 = vector.load %arg3[%swap3A_386, %swap3A_387] : memref<256x32xi32, #tpu.memory_space<vmem>>, vector<256x1xi32>
    tpu.vector_store %arg3[%swap3A_386, %swap3A_387], %add3A_385 {strides = array<i32>} : memref<256x32xi32, #tpu.memory_space<vmem>>, vector<256x1xi32>,
    %eq3A_389 = vector.broadcast %broadcast_in_dim3A_383 : vector<256x1xi32> to vector<256x4096xi32>
    %eq3A_390 = arith.cmpi eq, %iota3A, %eq3A_389 : vector<256x4096xi32>
    %jit3A_391 = arith.constant 0x7F800000 : f32
    %broadcast_in_dim3A_392 = vector.broadcast %jit3A_391 : f32 to vector<256x4096xf32>
    %select_n3A_393 = arith.select %eq3A_390, %broadcast_in_dim3A_392, %select_n3A_372 : vector<256x4096xi1>, vector<256x4096xf32>
    %reduce_min3A_394 = arith.constant dense<0x7F800000> : vector<256xf32>
    %reduce_min3A_395 = vector.multi_reduction <minimumf>, %select_n3A_393, %reduce_min3A_394 [1] : vector<256x4096xf32> to vector<256xf32>
    %broadcast_in_dim3A_396 = vector.shape_cast %reduce_min3A_395 : vector<256xf32> to vector<256x1xf32>
    %eq3A_397 = vector.broadcast %broadcast_in_dim3A_396 : vector<256x1xf32> to vector<256x4096xf32>
    %eq3A_398 = arith.cmpf oeq, %select_n3A_393, %eq3A_397 : vector<256x4096xf32>
    %jit3A_399 = arith.constant 1073741824 : i32
    %broadcast_in_dim3A_400 = vector.broadcast %jit3A_399 : i32 to vector<256x4096xi32>
    %select_n3A_401 = arith.select %eq3A_398, %iota3A, %broadcast_in_dim3A_400 : vector<256x4096xi1>, vector<256x4096xi32>
    %reduce_min3A_402 = arith.constant dense<2147483647> : vector<256xi32>
    %reduce_min3A_403 = vector.multi_reduction <minsi>, %select_n3A_401, %reduce_min3A_402 [1] : vector<256x4096xi32> to vector<256xi32>
    %broadcast_in_dim3A_404 = vector.shape_cast %reduce_min3A_403 : vector<256xi32> to vector<256x1xi32>
    %add3A_405 = vector.broadcast %mul3A_40 : i32 to vector<256x1xi32>
    %add3A_406 = arith.addi %broadcast_in_dim3A_404, %add3A_405 : vector<256x1xi32>
    %swap3A_407 = arith.constant 0 : index
    %swap3A_408 = arith.constant 17 : index
    %swap3A_409 = vector.load %arg3[%swap3A_407, %swap3A_408] : memref<256x32xi32, #tpu.memory_space<vmem>>, vector<256x1xi32>
    tpu.vector_store %arg3[%swap3A_407, %swap3A_408], %add3A_406 {strides = array<i32>} : memref<256x32xi32, #tpu.memory_space<vmem>>, vector<256x1xi32>,
    %eq3A_410 = vector.broadcast %broadcast_in_dim3A_404 : vector<256x1xi32> to vector<256x4096xi32>
    %eq3A_411 = arith.cmpi eq, %iota3A, %eq3A_410 : vector<256x4096xi32>
    %jit3A_412 = arith.constant 0x7F800000 : f32
    %broadcast_in_dim3A_413 = vector.broadcast %jit3A_412 : f32 to vector<256x4096xf32>
    %select_n3A_414 = arith.select %eq3A_411, %broadcast_in_dim3A_413, %select_n3A_393 : vector<256x4096xi1>, vector<256x4096xf32>
    %reduce_min3A_415 = arith.constant dense<0x7F800000> : vector<256xf32>
    %reduce_min3A_416 = vector.multi_reduction <minimumf>, %select_n3A_414, %reduce_min3A_415 [1] : vector<256x4096xf32> to vector<256xf32>
    %broadcast_in_dim3A_417 = vector.shape_cast %reduce_min3A_416 : vector<256xf32> to vector<256x1xf32>
    %eq3A_418 = vector.broadcast %broadcast_in_dim3A_417 : vector<256x1xf32> to vector<256x4096xf32>
    %eq3A_419 = arith.cmpf oeq, %select_n3A_414, %eq3A_418 : vector<256x4096xf32>
    %jit3A_420 = arith.constant 1073741824 : i32
    %broadcast_in_dim3A_421 = vector.broadcast %jit3A_420 : i32 to vector<256x4096xi32>
    %select_n3A_422 = arith.select %eq3A_419, %iota3A, %broadcast_in_dim3A_421 : vector<256x4096xi1>, vector<256x4096xi32>
    %reduce_min3A_423 = arith.constant dense<2147483647> : vector<256xi32>
    %reduce_min3A_424 = vector.multi_reduction <minsi>, %select_n3A_422, %reduce_min3A_423 [1] : vector<256x4096xi32> to vector<256xi32>
    %broadcast_in_dim3A_425 = vector.shape_cast %reduce_min3A_424 : vector<256xi32> to vector<256x1xi32>
    %add3A_426 = vector.broadcast %mul3A_40 : i32 to vector<256x1xi32>
    %add3A_427 = arith.addi %broadcast_in_dim3A_425, %add3A_426 : vector<256x1xi32>
    %swap3A_428 = arith.constant 0 : index
    %swap3A_429 = arith.constant 18 : index
    %swap3A_430 = vector.load %arg3[%swap3A_428, %swap3A_429] : memref<256x32xi32, #tpu.memory_space<vmem>>, vector<256x1xi32>
    tpu.vector_store %arg3[%swap3A_428, %swap3A_429], %add3A_427 {strides = array<i32>} : memref<256x32xi32, #tpu.memory_space<vmem>>, vector<256x1xi32>,
    %eq3A_431 = vector.broadcast %broadcast_in_dim3A_425 : vector<256x1xi32> to vector<256x4096xi32>
    %eq3A_432 = arith.cmpi eq, %iota3A, %eq3A_431 : vector<256x4096xi32>
    %jit3A_433 = arith.constant 0x7F800000 : f32
    %broadcast_in_dim3A_434 = vector.broadcast %jit3A_433 : f32 to vector<256x4096xf32>
    %select_n3A_435 = arith.select %eq3A_432, %broadcast_in_dim3A_434, %select_n3A_414 : vector<256x4096xi1>, vector<256x4096xf32>
    %reduce_min3A_436 = arith.constant dense<0x7F800000> : vector<256xf32>
    %reduce_min3A_437 = vector.multi_reduction <minimumf>, %select_n3A_435, %reduce_min3A_436 [1] : vector<256x4096xf32> to vector<256xf32>
    %broadcast_in_dim3A_438 = vector.shape_cast %reduce_min3A_437 : vector<256xf32> to vector<256x1xf32>
    %eq3A_439 = vector.broadcast %broadcast_in_dim3A_438 : vector<256x1xf32> to vector<256x4096xf32>
    %eq3A_440 = arith.cmpf oeq, %select_n3A_435, %eq3A_439 : vector<256x4096xf32>
    %jit3A_441 = arith.constant 1073741824 : i32
    %broadcast_in_dim3A_442 = vector.broadcast %jit3A_441 : i32 to vector<256x4096xi32>
    %select_n3A_443 = arith.select %eq3A_440, %iota3A, %broadcast_in_dim3A_442 : vector<256x4096xi1>, vector<256x4096xi32>
    %reduce_min3A_444 = arith.constant dense<2147483647> : vector<256xi32>
    %reduce_min3A_445 = vector.multi_reduction <minsi>, %select_n3A_443, %reduce_min3A_444 [1] : vector<256x4096xi32> to vector<256xi32>
    %broadcast_in_dim3A_446 = vector.shape_cast %reduce_min3A_445 : vector<256xi32> to vector<256x1xi32>
    %add3A_447 = vector.broadcast %mul3A_40 : i32 to vector<256x1xi32>
    %add3A_448 = arith.addi %broadcast_in_dim3A_446, %add3A_447 : vector<256x1xi32>
    %swap3A_449 = arith.constant 0 : index
    %swap3A_450 = arith.constant 19 : index
    %swap3A_451 = vector.load %arg3[%swap3A_449, %swap3A_450] : memref<256x32xi32, #tpu.memory_space<vmem>>, vector<256x1xi32>
    tpu.vector_store %arg3[%swap3A_449, %swap3A_450], %add3A_448 {strides = array<i32>} : memref<256x32xi32, #tpu.memory_space<vmem>>, vector<256x1xi32>,
    %eq3A_452 = vector.broadcast %broadcast_in_dim3A_446 : vector<256x1xi32> to vector<256x4096xi32>
    %eq3A_453 = arith.cmpi eq, %iota3A, %eq3A_452 : vector<256x4096xi32>
    %jit3A_454 = arith.constant 0x7F800000 : f32
    %broadcast_in_dim3A_455 = vector.broadcast %jit3A_454 : f32 to vector<256x4096xf32>
    %select_n3A_456 = arith.select %eq3A_453, %broadcast_in_dim3A_455, %select_n3A_435 : vector<256x4096xi1>, vector<256x4096xf32>
    %reduce_min3A_457 = arith.constant dense<0x7F800000> : vector<256xf32>
    %reduce_min3A_458 = vector.multi_reduction <minimumf>, %select_n3A_456, %reduce_min3A_457 [1] : vector<256x4096xf32> to vector<256xf32>
    %broadcast_in_dim3A_459 = vector.shape_cast %reduce_min3A_458 : vector<256xf32> to vector<256x1xf32>
    %eq3A_460 = vector.broadcast %broadcast_in_dim3A_459 : vector<256x1xf32> to vector<256x4096xf32>
    %eq3A_461 = arith.cmpf oeq, %select_n3A_456, %eq3A_460 : vector<256x4096xf32>
    %jit3A_462 = arith.constant 1073741824 : i32
    %broadcast_in_dim3A_463 = vector.broadcast %jit3A_462 : i32 to vector<256x4096xi32>
    %select_n3A_464 = arith.select %eq3A_461, %iota3A, %broadcast_in_dim3A_463 : vector<256x4096xi1>, vector<256x4096xi32>
    %reduce_min3A_465 = arith.constant dense<2147483647> : vector<256xi32>
    %reduce_min3A_466 = vector.multi_reduction <minsi>, %select_n3A_464, %reduce_min3A_465 [1] : vector<256x4096xi32> to vector<256xi32>
    %broadcast_in_dim3A_467 = vector.shape_cast %reduce_min3A_466 : vector<256xi32> to vector<256x1xi32>
    %add3A_468 = vector.broadcast %mul3A_40 : i32 to vector<256x1xi32>
    %add3A_469 = arith.addi %broadcast_in_dim3A_467, %add3A_468 : vector<256x1xi32>
    %swap3A_470 = arith.constant 0 : index
    %swap3A_471 = arith.constant 20 : index
    %swap3A_472 = vector.load %arg3[%swap3A_470, %swap3A_471] : memref<256x32xi32, #tpu.memory_space<vmem>>, vector<256x1xi32>
    tpu.vector_store %arg3[%swap3A_470, %swap3A_471], %add3A_469 {strides = array<i32>} : memref<256x32xi32, #tpu.memory_space<vmem>>, vector<256x1xi32>,
    %eq3A_473 = vector.broadcast %broadcast_in_dim3A_467 : vector<256x1xi32> to vector<256x4096xi32>
    %eq3A_474 = arith.cmpi eq, %iota3A, %eq3A_473 : vector<256x4096xi32>
    %jit3A_475 = arith.constant 0x7F800000 : f32
    %broadcast_in_dim3A_476 = vector.broadcast %jit3A_475 : f32 to vector<256x4096xf32>
    %select_n3A_477 = arith.select %eq3A_474, %broadcast_in_dim3A_476, %select_n3A_456 : vector<256x4096xi1>, vector<256x4096xf32>
    %reduce_min3A_478 = arith.constant dense<0x7F800000> : vector<256xf32>
    %reduce_min3A_479 = vector.multi_reduction <minimumf>, %select_n3A_477, %reduce_min3A_478 [1] : vector<256x4096xf32> to vector<256xf32>
    %broadcast_in_dim3A_480 = vector.shape_cast %reduce_min3A_479 : vector<256xf32> to vector<256x1xf32>
    %eq3A_481 = vector.broadcast %broadcast_in_dim3A_480 : vector<256x1xf32> to vector<256x4096xf32>
    %eq3A_482 = arith.cmpf oeq, %select_n3A_477, %eq3A_481 : vector<256x4096xf32>
    %jit3A_483 = arith.constant 1073741824 : i32
    %broadcast_in_dim3A_484 = vector.broadcast %jit3A_483 : i32 to vector<256x4096xi32>
    %select_n3A_485 = arith.select %eq3A_482, %iota3A, %broadcast_in_dim3A_484 : vector<256x4096xi1>, vector<256x4096xi32>
    %reduce_min3A_486 = arith.constant dense<2147483647> : vector<256xi32>
    %reduce_min3A_487 = vector.multi_reduction <minsi>, %select_n3A_485, %reduce_min3A_486 [1] : vector<256x4096xi32> to vector<256xi32>
    %broadcast_in_dim3A_488 = vector.shape_cast %reduce_min3A_487 : vector<256xi32> to vector<256x1xi32>
    %add3A_489 = vector.broadcast %mul3A_40 : i32 to vector<256x1xi32>
    %add3A_490 = arith.addi %broadcast_in_dim3A_488, %add3A_489 : vector<256x1xi32>
    %swap3A_491 = arith.constant 0 : index
    %swap3A_492 = arith.constant 21 : index
    %swap3A_493 = vector.load %arg3[%swap3A_491, %swap3A_492] : memref<256x32xi32, #tpu.memory_space<vmem>>, vector<256x1xi32>
    tpu.vector_store %arg3[%swap3A_491, %swap3A_492], %add3A_490 {strides = array<i32>} : memref<256x32xi32, #tpu.memory_space<vmem>>, vector<256x1xi32>,
    %eq3A_494 = vector.broadcast %broadcast_in_dim3A_488 : vector<256x1xi32> to vector<256x4096xi32>
    %eq3A_495 = arith.cmpi eq, %iota3A, %eq3A_494 : vector<256x4096xi32>
    %jit3A_496 = arith.constant 0x7F800000 : f32
    %broadcast_in_dim3A_497 = vector.broadcast %jit3A_496 : f32 to vector<256x4096xf32>
    %select_n3A_498 = arith.select %eq3A_495, %broadcast_in_dim3A_497, %select_n3A_477 : vector<256x4096xi1>, vector<256x4096xf32>
    %reduce_min3A_499 = arith.constant dense<0x7F800000> : vector<256xf32>
    %reduce_min3A_500 = vector.multi_reduction <minimumf>, %select_n3A_498, %reduce_min3A_499 [1] : vector<256x4096xf32> to vector<256xf32>
    %broadcast_in_dim3A_501 = vector.shape_cast %reduce_min3A_500 : vector<256xf32> to vector<256x1xf32>
    %eq3A_502 = vector.broadcast %broadcast_in_dim3A_501 : vector<256x1xf32> to vector<256x4096xf32>
    %eq3A_503 = arith.cmpf oeq, %select_n3A_498, %eq3A_502 : vector<256x4096xf32>
    %jit3A_504 = arith.constant 1073741824 : i32
    %broadcast_in_dim3A_505 = vector.broadcast %jit3A_504 : i32 to vector<256x4096xi32>
    %select_n3A_506 = arith.select %eq3A_503, %iota3A, %broadcast_in_dim3A_505 : vector<256x4096xi1>, vector<256x4096xi32>
    %reduce_min3A_507 = arith.constant dense<2147483647> : vector<256xi32>
    %reduce_min3A_508 = vector.multi_reduction <minsi>, %select_n3A_506, %reduce_min3A_507 [1] : vector<256x4096xi32> to vector<256xi32>
    %broadcast_in_dim3A_509 = vector.shape_cast %reduce_min3A_508 : vector<256xi32> to vector<256x1xi32>
    %add3A_510 = vector.broadcast %mul3A_40 : i32 to vector<256x1xi32>
    %add3A_511 = arith.addi %broadcast_in_dim3A_509, %add3A_510 : vector<256x1xi32>
    %swap3A_512 = arith.constant 0 : index
    %swap3A_513 = arith.constant 22 : index
    %swap3A_514 = vector.load %arg3[%swap3A_512, %swap3A_513] : memref<256x32xi32, #tpu.memory_space<vmem>>, vector<256x1xi32>
    tpu.vector_store %arg3[%swap3A_512, %swap3A_513], %add3A_511 {strides = array<i32>} : memref<256x32xi32, #tpu.memory_space<vmem>>, vector<256x1xi32>,
    %eq3A_515 = vector.broadcast %broadcast_in_dim3A_509 : vector<256x1xi32> to vector<256x4096xi32>
    %eq3A_516 = arith.cmpi eq, %iota3A, %eq3A_515 : vector<256x4096xi32>
    %jit3A_517 = arith.constant 0x7F800000 : f32
    %broadcast_in_dim3A_518 = vector.broadcast %jit3A_517 : f32 to vector<256x4096xf32>
    %select_n3A_519 = arith.select %eq3A_516, %broadcast_in_dim3A_518, %select_n3A_498 : vector<256x4096xi1>, vector<256x4096xf32>
    %reduce_min3A_520 = arith.constant dense<0x7F800000> : vector<256xf32>
    %reduce_min3A_521 = vector.multi_reduction <minimumf>, %select_n3A_519, %reduce_min3A_520 [1] : vector<256x4096xf32> to vector<256xf32>
    %broadcast_in_dim3A_522 = vector.shape_cast %reduce_min3A_521 : vector<256xf32> to vector<256x1xf32>
    %eq3A_523 = vector.broadcast %broadcast_in_dim3A_522 : vector<256x1xf32> to vector<256x4096xf32>
    %eq3A_524 = arith.cmpf oeq, %select_n3A_519, %eq3A_523 : vector<256x4096xf32>
    %jit3A_525 = arith.constant 1073741824 : i32
    %broadcast_in_dim3A_526 = vector.broadcast %jit3A_525 : i32 to vector<256x4096xi32>
    %select_n3A_527 = arith.select %eq3A_524, %iota3A, %broadcast_in_dim3A_526 : vector<256x4096xi1>, vector<256x4096xi32>
    %reduce_min3A_528 = arith.constant dense<2147483647> : vector<256xi32>
    %reduce_min3A_529 = vector.multi_reduction <minsi>, %select_n3A_527, %reduce_min3A_528 [1] : vector<256x4096xi32> to vector<256xi32>
    %broadcast_in_dim3A_530 = vector.shape_cast %reduce_min3A_529 : vector<256xi32> to vector<256x1xi32>
    %add3A_531 = vector.broadcast %mul3A_40 : i32 to vector<256x1xi32>
    %add3A_532 = arith.addi %broadcast_in_dim3A_530, %add3A_531 : vector<256x1xi32>
    %swap3A_533 = arith.constant 0 : index
    %swap3A_534 = arith.constant 23 : index
    %swap3A_535 = vector.load %arg3[%swap3A_533, %swap3A_534] : memref<256x32xi32, #tpu.memory_space<vmem>>, vector<256x1xi32>
    tpu.vector_store %arg3[%swap3A_533, %swap3A_534], %add3A_532 {strides = array<i32>} : memref<256x32xi32, #tpu.memory_space<vmem>>, vector<256x1xi32>,
    %eq3A_536 = vector.broadcast %broadcast_in_dim3A_530 : vector<256x1xi32> to vector<256x4096xi32>
    %eq3A_537 = arith.cmpi eq, %iota3A, %eq3A_536 : vector<256x4096xi32>
    %jit3A_538 = arith.constant 0x7F800000 : f32
    %broadcast_in_dim3A_539 = vector.broadcast %jit3A_538 : f32 to vector<256x4096xf32>
    %select_n3A_540 = arith.select %eq3A_537, %broadcast_in_dim3A_539, %select_n3A_519 : vector<256x4096xi1>, vector<256x4096xf32>
    %reduce_min3A_541 = arith.constant dense<0x7F800000> : vector<256xf32>
    %reduce_min3A_542 = vector.multi_reduction <minimumf>, %select_n3A_540, %reduce_min3A_541 [1] : vector<256x4096xf32> to vector<256xf32>
    %broadcast_in_dim3A_543 = vector.shape_cast %reduce_min3A_542 : vector<256xf32> to vector<256x1xf32>
    %eq3A_544 = vector.broadcast %broadcast_in_dim3A_543 : vector<256x1xf32> to vector<256x4096xf32>
    %eq3A_545 = arith.cmpf oeq, %select_n3A_540, %eq3A_544 : vector<256x4096xf32>
    %jit3A_546 = arith.constant 1073741824 : i32
    %broadcast_in_dim3A_547 = vector.broadcast %jit3A_546 : i32 to vector<256x4096xi32>
    %select_n3A_548 = arith.select %eq3A_545, %iota3A, %broadcast_in_dim3A_547 : vector<256x4096xi1>, vector<256x4096xi32>
    %reduce_min3A_549 = arith.constant dense<2147483647> : vector<256xi32>
    %reduce_min3A_550 = vector.multi_reduction <minsi>, %select_n3A_548, %reduce_min3A_549 [1] : vector<256x4096xi32> to vector<256xi32>
    %broadcast_in_dim3A_551 = vector.shape_cast %reduce_min3A_550 : vector<256xi32> to vector<256x1xi32>
    %add3A_552 = vector.broadcast %mul3A_40 : i32 to vector<256x1xi32>
    %add3A_553 = arith.addi %broadcast_in_dim3A_551, %add3A_552 : vector<256x1xi32>
    %swap3A_554 = arith.constant 0 : index
    %swap3A_555 = arith.constant 24 : index
    %swap3A_556 = vector.load %arg3[%swap3A_554, %swap3A_555] : memref<256x32xi32, #tpu.memory_space<vmem>>, vector<256x1xi32>
    tpu.vector_store %arg3[%swap3A_554, %swap3A_555], %add3A_553 {strides = array<i32>} : memref<256x32xi32, #tpu.memory_space<vmem>>, vector<256x1xi32>,
    %eq3A_557 = vector.broadcast %broadcast_in_dim3A_551 : vector<256x1xi32> to vector<256x4096xi32>
    %eq3A_558 = arith.cmpi eq, %iota3A, %eq3A_557 : vector<256x4096xi32>
    %jit3A_559 = arith.constant 0x7F800000 : f32
    %broadcast_in_dim3A_560 = vector.broadcast %jit3A_559 : f32 to vector<256x4096xf32>
    %select_n3A_561 = arith.select %eq3A_558, %broadcast_in_dim3A_560, %select_n3A_540 : vector<256x4096xi1>, vector<256x4096xf32>
    %reduce_min3A_562 = arith.constant dense<0x7F800000> : vector<256xf32>
    %reduce_min3A_563 = vector.multi_reduction <minimumf>, %select_n3A_561, %reduce_min3A_562 [1] : vector<256x4096xf32> to vector<256xf32>
    %broadcast_in_dim3A_564 = vector.shape_cast %reduce_min3A_563 : vector<256xf32> to vector<256x1xf32>
    %eq3A_565 = vector.broadcast %broadcast_in_dim3A_564 : vector<256x1xf32> to vector<256x4096xf32>
    %eq3A_566 = arith.cmpf oeq, %select_n3A_561, %eq3A_565 : vector<256x4096xf32>
    %jit3A_567 = arith.constant 1073741824 : i32
    %broadcast_in_dim3A_568 = vector.broadcast %jit3A_567 : i32 to vector<256x4096xi32>
    %select_n3A_569 = arith.select %eq3A_566, %iota3A, %broadcast_in_dim3A_568 : vector<256x4096xi1>, vector<256x4096xi32>
    %reduce_min3A_570 = arith.constant dense<2147483647> : vector<256xi32>
    %reduce_min3A_571 = vector.multi_reduction <minsi>, %select_n3A_569, %reduce_min3A_570 [1] : vector<256x4096xi32> to vector<256xi32>
    %broadcast_in_dim3A_572 = vector.shape_cast %reduce_min3A_571 : vector<256xi32> to vector<256x1xi32>
    %add3A_573 = vector.broadcast %mul3A_40 : i32 to vector<256x1xi32>
    %add3A_574 = arith.addi %broadcast_in_dim3A_572, %add3A_573 : vector<256x1xi32>
    %swap3A_575 = arith.constant 0 : index
    %swap3A_576 = arith.constant 25 : index
    %swap3A_577 = vector.load %arg3[%swap3A_575, %swap3A_576] : memref<256x32xi32, #tpu.memory_space<vmem>>, vector<256x1xi32>
    tpu.vector_store %arg3[%swap3A_575, %swap3A_576], %add3A_574 {strides = array<i32>} : memref<256x32xi32, #tpu.memory_space<vmem>>, vector<256x1xi32>,
    %eq3A_578 = vector.broadcast %broadcast_in_dim3A_572 : vector<256x1xi32> to vector<256x4096xi32>
    %eq3A_579 = arith.cmpi eq, %iota3A, %eq3A_578 : vector<256x4096xi32>
    %jit3A_580 = arith.constant 0x7F800000 : f32
    %broadcast_in_dim3A_581 = vector.broadcast %jit3A_580 : f32 to vector<256x4096xf32>
    %select_n3A_582 = arith.select %eq3A_579, %broadcast_in_dim3A_581, %select_n3A_561 : vector<256x4096xi1>, vector<256x4096xf32>
    %reduce_min3A_583 = arith.constant dense<0x7F800000> : vector<256xf32>
    %reduce_min3A_584 = vector.multi_reduction <minimumf>, %select_n3A_582, %reduce_min3A_583 [1] : vector<256x4096xf32> to vector<256xf32>
    %broadcast_in_dim3A_585 = vector.shape_cast %reduce_min3A_584 : vector<256xf32> to vector<256x1xf32>
    %eq3A_586 = vector.broadcast %broadcast_in_dim3A_585 : vector<256x1xf32> to vector<256x4096xf32>
    %eq3A_587 = arith.cmpf oeq, %select_n3A_582, %eq3A_586 : vector<256x4096xf32>
    %jit3A_588 = arith.constant 1073741824 : i32
    %broadcast_in_dim3A_589 = vector.broadcast %jit3A_588 : i32 to vector<256x4096xi32>
    %select_n3A_590 = arith.select %eq3A_587, %iota3A, %broadcast_in_dim3A_589 : vector<256x4096xi1>, vector<256x4096xi32>
    %reduce_min3A_591 = arith.constant dense<2147483647> : vector<256xi32>
    %reduce_min3A_592 = vector.multi_reduction <minsi>, %select_n3A_590, %reduce_min3A_591 [1] : vector<256x4096xi32> to vector<256xi32>
    %broadcast_in_dim3A_593 = vector.shape_cast %reduce_min3A_592 : vector<256xi32> to vector<256x1xi32>
    %add3A_594 = vector.broadcast %mul3A_40 : i32 to vector<256x1xi32>
    %add3A_595 = arith.addi %broadcast_in_dim3A_593, %add3A_594 : vector<256x1xi32>
    %swap3A_596 = arith.constant 0 : index
    %swap3A_597 = arith.constant 26 : index
    %swap3A_598 = vector.load %arg3[%swap3A_596, %swap3A_597] : memref<256x32xi32, #tpu.memory_space<vmem>>, vector<256x1xi32>
    tpu.vector_store %arg3[%swap3A_596, %swap3A_597], %add3A_595 {strides = array<i32>} : memref<256x32xi32, #tpu.memory_space<vmem>>, vector<256x1xi32>,
    %eq3A_599 = vector.broadcast %broadcast_in_dim3A_593 : vector<256x1xi32> to vector<256x4096xi32>
    %eq3A_600 = arith.cmpi eq, %iota3A, %eq3A_599 : vector<256x4096xi32>
    %jit3A_601 = arith.constant 0x7F800000 : f32
    %broadcast_in_dim3A_602 = vector.broadcast %jit3A_601 : f32 to vector<256x4096xf32>
    %select_n3A_603 = arith.select %eq3A_600, %broadcast_in_dim3A_602, %select_n3A_582 : vector<256x4096xi1>, vector<256x4096xf32>
    %reduce_min3A_604 = arith.constant dense<0x7F800000> : vector<256xf32>
    %reduce_min3A_605 = vector.multi_reduction <minimumf>, %select_n3A_603, %reduce_min3A_604 [1] : vector<256x4096xf32> to vector<256xf32>
    %broadcast_in_dim3A_606 = vector.shape_cast %reduce_min3A_605 : vector<256xf32> to vector<256x1xf32>
    %eq3A_607 = vector.broadcast %broadcast_in_dim3A_606 : vector<256x1xf32> to vector<256x4096xf32>
    %eq3A_608 = arith.cmpf oeq, %select_n3A_603, %eq3A_607 : vector<256x4096xf32>
    %jit3A_609 = arith.constant 1073741824 : i32
    %broadcast_in_dim3A_610 = vector.broadcast %jit3A_609 : i32 to vector<256x4096xi32>
    %select_n3A_611 = arith.select %eq3A_608, %iota3A, %broadcast_in_dim3A_610 : vector<256x4096xi1>, vector<256x4096xi32>
    %reduce_min3A_612 = arith.constant dense<2147483647> : vector<256xi32>
    %reduce_min3A_613 = vector.multi_reduction <minsi>, %select_n3A_611, %reduce_min3A_612 [1] : vector<256x4096xi32> to vector<256xi32>
    %broadcast_in_dim3A_614 = vector.shape_cast %reduce_min3A_613 : vector<256xi32> to vector<256x1xi32>
    %add3A_615 = vector.broadcast %mul3A_40 : i32 to vector<256x1xi32>
    %add3A_616 = arith.addi %broadcast_in_dim3A_614, %add3A_615 : vector<256x1xi32>
    %swap3A_617 = arith.constant 0 : index
    %swap3A_618 = arith.constant 27 : index
    %swap3A_619 = vector.load %arg3[%swap3A_617, %swap3A_618] : memref<256x32xi32, #tpu.memory_space<vmem>>, vector<256x1xi32>
    tpu.vector_store %arg3[%swap3A_617, %swap3A_618], %add3A_616 {strides = array<i32>} : memref<256x32xi32, #tpu.memory_space<vmem>>, vector<256x1xi32>,
    %eq3A_620 = vector.broadcast %broadcast_in_dim3A_614 : vector<256x1xi32> to vector<256x4096xi32>
    %eq3A_621 = arith.cmpi eq, %iota3A, %eq3A_620 : vector<256x4096xi32>
    %jit3A_622 = arith.constant 0x7F800000 : f32
    %broadcast_in_dim3A_623 = vector.broadcast %jit3A_622 : f32 to vector<256x4096xf32>
    %select_n3A_624 = arith.select %eq3A_621, %broadcast_in_dim3A_623, %select_n3A_603 : vector<256x4096xi1>, vector<256x4096xf32>
    %reduce_min3A_625 = arith.constant dense<0x7F800000> : vector<256xf32>
    %reduce_min3A_626 = vector.multi_reduction <minimumf>, %select_n3A_624, %reduce_min3A_625 [1] : vector<256x4096xf32> to vector<256xf32>
    %broadcast_in_dim3A_627 = vector.shape_cast %reduce_min3A_626 : vector<256xf32> to vector<256x1xf32>
    %eq3A_628 = vector.broadcast %broadcast_in_dim3A_627 : vector<256x1xf32> to vector<256x4096xf32>
    %eq3A_629 = arith.cmpf oeq, %select_n3A_624, %eq3A_628 : vector<256x4096xf32>
    %jit3A_630 = arith.constant 1073741824 : i32
    %broadcast_in_dim3A_631 = vector.broadcast %jit3A_630 : i32 to vector<256x4096xi32>
    %select_n3A_632 = arith.select %eq3A_629, %iota3A, %broadcast_in_dim3A_631 : vector<256x4096xi1>, vector<256x4096xi32>
    %reduce_min3A_633 = arith.constant dense<2147483647> : vector<256xi32>
    %reduce_min3A_634 = vector.multi_reduction <minsi>, %select_n3A_632, %reduce_min3A_633 [1] : vector<256x4096xi32> to vector<256xi32>
    %broadcast_in_dim3A_635 = vector.shape_cast %reduce_min3A_634 : vector<256xi32> to vector<256x1xi32>
    %add3A_636 = vector.broadcast %mul3A_40 : i32 to vector<256x1xi32>
    %add3A_637 = arith.addi %broadcast_in_dim3A_635, %add3A_636 : vector<256x1xi32>
    %swap3A_638 = arith.constant 0 : index
    %swap3A_639 = arith.constant 28 : index
    %swap3A_640 = vector.load %arg3[%swap3A_638, %swap3A_639] : memref<256x32xi32, #tpu.memory_space<vmem>>, vector<256x1xi32>
    tpu.vector_store %arg3[%swap3A_638, %swap3A_639], %add3A_637 {strides = array<i32>} : memref<256x32xi32, #tpu.memory_space<vmem>>, vector<256x1xi32>,
    %eq3A_641 = vector.broadcast %broadcast_in_dim3A_635 : vector<256x1xi32> to vector<256x4096xi32>
    %eq3A_642 = arith.cmpi eq, %iota3A, %eq3A_641 : vector<256x4096xi32>
    %jit3A_643 = arith.constant 0x7F800000 : f32
    %broadcast_in_dim3A_644 = vector.broadcast %jit3A_643 : f32 to vector<256x4096xf32>
    %select_n3A_645 = arith.select %eq3A_642, %broadcast_in_dim3A_644, %select_n3A_624 : vector<256x4096xi1>, vector<256x4096xf32>
    %reduce_min3A_646 = arith.constant dense<0x7F800000> : vector<256xf32>
    %reduce_min3A_647 = vector.multi_reduction <minimumf>, %select_n3A_645, %reduce_min3A_646 [1] : vector<256x4096xf32> to vector<256xf32>
    %broadcast_in_dim3A_648 = vector.shape_cast %reduce_min3A_647 : vector<256xf32> to vector<256x1xf32>
    %eq3A_649 = vector.broadcast %broadcast_in_dim3A_648 : vector<256x1xf32> to vector<256x4096xf32>
    %eq3A_650 = arith.cmpf oeq, %select_n3A_645, %eq3A_649 : vector<256x4096xf32>
    %jit3A_651 = arith.constant 1073741824 : i32
    %broadcast_in_dim3A_652 = vector.broadcast %jit3A_651 : i32 to vector<256x4096xi32>
    %select_n3A_653 = arith.select %eq3A_650, %iota3A, %broadcast_in_dim3A_652 : vector<256x4096xi1>, vector<256x4096xi32>
    %reduce_min3A_654 = arith.constant dense<2147483647> : vector<256xi32>
    %reduce_min3A_655 = vector.multi_reduction <minsi>, %select_n3A_653, %reduce_min3A_654 [1] : vector<256x4096xi32> to vector<256xi32>
    %broadcast_in_dim3A_656 = vector.shape_cast %reduce_min3A_655 : vector<256xi32> to vector<256x1xi32>
    %add3A_657 = vector.broadcast %mul3A_40 : i32 to vector<256x1xi32>
    %add3A_658 = arith.addi %broadcast_in_dim3A_656, %add3A_657 : vector<256x1xi32>
    %swap3A_659 = arith.constant 0 : index
    %swap3A_660 = arith.constant 29 : index
    %swap3A_661 = vector.load %arg3[%swap3A_659, %swap3A_660] : memref<256x32xi32, #tpu.memory_space<vmem>>, vector<256x1xi32>
    tpu.vector_store %arg3[%swap3A_659, %swap3A_660], %add3A_658 {strides = array<i32>} : memref<256x32xi32, #tpu.memory_space<vmem>>, vector<256x1xi32>,
    %eq3A_662 = vector.broadcast %broadcast_in_dim3A_656 : vector<256x1xi32> to vector<256x4096xi32>
    %eq3A_663 = arith.cmpi eq, %iota3A, %eq3A_662 : vector<256x4096xi32>
    %jit3A_664 = arith.constant 0x7F800000 : f32
    %broadcast_in_dim3A_665 = vector.broadcast %jit3A_664 : f32 to vector<256x4096xf32>
    %select_n3A_666 = arith.select %eq3A_663, %broadcast_in_dim3A_665, %select_n3A_645 : vector<256x4096xi1>, vector<256x4096xf32>
    %reduce_min3A_667 = arith.constant dense<0x7F800000> : vector<256xf32>
    %reduce_min3A_668 = vector.multi_reduction <minimumf>, %select_n3A_666, %reduce_min3A_667 [1] : vector<256x4096xf32> to vector<256xf32>
    %broadcast_in_dim3A_669 = vector.shape_cast %reduce_min3A_668 : vector<256xf32> to vector<256x1xf32>
    %eq3A_670 = vector.broadcast %broadcast_in_dim3A_669 : vector<256x1xf32> to vector<256x4096xf32>
    %eq3A_671 = arith.cmpf oeq, %select_n3A_666, %eq3A_670 : vector<256x4096xf32>
    %jit3A_672 = arith.constant 1073741824 : i32
    %broadcast_in_dim3A_673 = vector.broadcast %jit3A_672 : i32 to vector<256x4096xi32>
    %select_n3A_674 = arith.select %eq3A_671, %iota3A, %broadcast_in_dim3A_673 : vector<256x4096xi1>, vector<256x4096xi32>
    %reduce_min3A_675 = arith.constant dense<2147483647> : vector<256xi32>
    %reduce_min3A_676 = vector.multi_reduction <minsi>, %select_n3A_674, %reduce_min3A_675 [1] : vector<256x4096xi32> to vector<256xi32>
    %broadcast_in_dim3A_677 = vector.shape_cast %reduce_min3A_676 : vector<256xi32> to vector<256x1xi32>
    %add3A_678 = vector.broadcast %mul3A_40 : i32 to vector<256x1xi32>
    %add3A_679 = arith.addi %broadcast_in_dim3A_677, %add3A_678 : vector<256x1xi32>
    %swap3A_680 = arith.constant 0 : index
    %swap3A_681 = arith.constant 30 : index
    %swap3A_682 = vector.load %arg3[%swap3A_680, %swap3A_681] : memref<256x32xi32, #tpu.memory_space<vmem>>, vector<256x1xi32>
    tpu.vector_store %arg3[%swap3A_680, %swap3A_681], %add3A_679 {strides = array<i32>} : memref<256x32xi32, #tpu.memory_space<vmem>>, vector<256x1xi32>,
    %eq3A_683 = vector.broadcast %broadcast_in_dim3A_677 : vector<256x1xi32> to vector<256x4096xi32>
    %eq3A_684 = arith.cmpi eq, %iota3A, %eq3A_683 : vector<256x4096xi32>
    %jit3A_685 = arith.constant 0x7F800000 : f32
    %broadcast_in_dim3A_686 = vector.broadcast %jit3A_685 : f32 to vector<256x4096xf32>
    %select_n3A_687 = arith.select %eq3A_684, %broadcast_in_dim3A_686, %select_n3A_666 : vector<256x4096xi1>, vector<256x4096xf32>
    %reduce_min3A_688 = arith.constant dense<0x7F800000> : vector<256xf32>
    %reduce_min3A_689 = vector.multi_reduction <minimumf>, %select_n3A_687, %reduce_min3A_688 [1] : vector<256x4096xf32> to vector<256xf32>
    %broadcast_in_dim3A_690 = vector.shape_cast %reduce_min3A_689 : vector<256xf32> to vector<256x1xf32>
    %eq3A_691 = vector.broadcast %broadcast_in_dim3A_690 : vector<256x1xf32> to vector<256x4096xf32>
    %eq3A_692 = arith.cmpf oeq, %select_n3A_687, %eq3A_691 : vector<256x4096xf32>
    %jit3A_693 = arith.constant 1073741824 : i32
    %broadcast_in_dim3A_694 = vector.broadcast %jit3A_693 : i32 to vector<256x4096xi32>
    %select_n3A_695 = arith.select %eq3A_692, %iota3A, %broadcast_in_dim3A_694 : vector<256x4096xi1>, vector<256x4096xi32>
    %reduce_min3A_696 = arith.constant dense<2147483647> : vector<256xi32>
    %reduce_min3A_697 = vector.multi_reduction <minsi>, %select_n3A_695, %reduce_min3A_696 [1] : vector<256x4096xi32> to vector<256xi32>
    %broadcast_in_dim3A_698 = vector.shape_cast %reduce_min3A_697 : vector<256xi32> to vector<256x1xi32>
    %add3A_699 = vector.broadcast %mul3A_40 : i32 to vector<256x1xi32>
    %add3A_700 = arith.addi %broadcast_in_dim3A_698, %add3A_699 : vector<256x1xi32>
    %swap3A_701 = arith.constant 0 : index
    %swap3A_702 = arith.constant 31 : index
    %swap3A_703 = vector.load %arg3[%swap3A_701, %swap3A_702] : memref<256x32xi32, #tpu.memory_space<vmem>>, vector<256x1xi32>
    tpu.vector_store %arg3[%swap3A_701, %swap3A_702], %add3A_700 {strides = array<i32>} : memref<256x32xi32, #tpu.memory_space<vmem>>, vector<256x1xi32>,
    return
  }
  func.func @transform_0(%arg0: i32) -> (i32, i32) {
    %c0_i32 = arith.constant 0 : i32
    %c0_i32_0 = arith.constant 0 : i32
    return %arg0, %c0_i32 : i32, i32
  }
  func.func @transform_1(%arg0: i32) -> (i32, i32, i32) {
    %jit3A = arith.constant 4 : i32
    %div3A = arith.divsi %arg0, %jit3A : i32
    %sign3A = arith.constant 0 : i32
    %sign3A_0 = arith.cmpi sgt, %arg0, %sign3A : i32
    %sign3A_1 = arith.extui %sign3A_0 : i1 to i32
    %sign3A_2 = arith.constant 0 : i32
    %sign3A_3 = arith.cmpi slt, %arg0, %sign3A_2 : i32
    %sign3A_4 = arith.extui %sign3A_3 : i1 to i32
    %sign3A_5 = arith.subi %sign3A_1, %sign3A_4 : i32
    %sign3A_6 = arith.constant 0 : i32
    %sign3A_7 = arith.cmpi sgt, %jit3A, %sign3A_6 : i32
    %sign3A_8 = arith.extui %sign3A_7 : i1 to i32
    %sign3A_9 = arith.constant 0 : i32
    %sign3A_10 = arith.cmpi slt, %jit3A, %sign3A_9 : i32
    %sign3A_11 = arith.extui %sign3A_10 : i1 to i32
    %sign3A_12 = arith.subi %sign3A_8, %sign3A_11 : i32
    %ne3A = arith.cmpi ne, %sign3A_5, %sign3A_12 : i32
    %rem3A = arith.remsi %arg0, %jit3A : i32
    %ne3A_13 = arith.constant 0 : i32
    %ne3A_14 = arith.cmpi ne, %rem3A, %ne3A_13 : i32
    %and3A = arith.andi %ne3A, %ne3A_14 : i1
    %sub3A = arith.constant 1 : i32
    %sub3A_15 = arith.subi %div3A, %sub3A : i32
    %select_n3A = arith.select %and3A, %sub3A_15, %div3A : i32
    %c0_i32 = arith.constant 0 : i32
    %c0_i32_16 = arith.constant 0 : i32
    %c0_i32_17 = arith.constant 0 : i32
    return %select_n3A, %c0_i32, %c0_i32_16 : i32, i32, i32
  }
  func.func @transform_2(%arg0: i32) -> (i32, i32) {
    %c0_i32 = arith.constant 0 : i32
    %c0_i32_0 = arith.constant 0 : i32
    return %arg0, %c0_i32 : i32, i32
  }
}

module attributes {stable_mosaic.version = 14 : i64} {
  func.func @_m1_body(%arg0: i32, %arg1: memref<4096x16xf32, #tpu.memory_space<vmem>>, %arg2: memref<128x3xf32, #tpu.memory_space<vmem>>, %arg3: memref<64x16xf32, #tpu.memory_space<vmem>>, %arg4: memref<8x128xf32, #tpu.memory_space<vmem>>, %arg5: memref<8x128xf32, #tpu.memory_space<vmem>>) attributes {dimension_semantics = [#tpu.dimension_semantics<arbitrary>], iteration_bounds = array<i64: 64>, scalar_prefetch = 0 : i64, scratch_operands = 0 : i64, tpu.core_type = #tpu.core_type<tc>, window_params = [{transform_indices = @transform_0, window_bounds = array<i64: 4096, 16>}, {transform_indices = @transform_1, window_bounds = array<i64: 128, 3>}, {pipeline_mode = #tpu.pipeline_mode<synchronous>, transform_indices = @transform_2, window_bounds = array<i64: 64, 16>}, {pipeline_mode = #tpu.pipeline_mode<synchronous>, transform_indices = @transform_3, window_bounds = array<i64: 8, 128>}, {pipeline_mode = #tpu.pipeline_mode<synchronous>, transform_indices = @transform_4, window_bounds = array<i64: 8, 128>}]} {
    %get3A = arith.constant 0 : index
    %get3A_0 = arith.constant 0 : index
    %get3A_1 = vector.load %arg4[%get3A, %get3A_0] : memref<8x128xf32, #tpu.memory_space<vmem>>, vector<1x64xf32>
    %get3A_2 = arith.constant 0 : index
    %get3A_3 = arith.constant 0 : index
    %get3A_4 = vector.load %arg1[%get3A_2, %get3A_3] : memref<4096x16xf32, #tpu.memory_space<vmem>>, vector<4096x16xf32>
    %get3A_5 = arith.constant 0 : index
    %get3A_6 = arith.constant 0 : index
    %get3A_7 = vector.load %arg2[%get3A_5, %get3A_6] : memref<128x3xf32, #tpu.memory_space<vmem>>, vector<128x3xf32>
    %get3A_8 = arith.constant 0 : index
    %get3A_9 = arith.constant 0 : index
    %get3A_10 = vector.load %arg3[%get3A_8, %get3A_9] : memref<64x16xf32, #tpu.memory_space<vmem>>, vector<64x16xf32>
    %transpose3A = tpu.transpose %get3A_10, [1, 0] : vector<64x16xf32> -> vector<16x64xf32>
    %dot_general3A = arith.constant dense<0.000000e+00> : vector<4096x64xf32>
    %dot_general3A_11 = tpu.matmul %get3A_4, %transpose3A, %dot_general3A {dimension_numbers = #tpu.dot_dimension_numbers<[1], [0], [0], [1], [0, 0, 1, 1], [], []>, transpose_lhs_hint = false} : vector<4096x16xf32>, vector<16x64xf32>, vector<4096x64xf32> -> vector<4096x64xf32>
    %slice3A = vector.extract_strided_slice %get3A_10 {offsets = [0, 0], sizes = [64, 3], strides = [1, 1]} : vector<64x16xf32> to vector<64x3xf32>
    %transpose3A_12 = tpu.transpose %slice3A, [1, 0] : vector<64x3xf32> -> vector<3x64xf32>
    %dot_general3A_13 = arith.constant dense<0.000000e+00> : vector<128x64xf32>
    %dot_general3A_14 = tpu.matmul %get3A_7, %transpose3A_12, %dot_general3A_13 {dimension_numbers = #tpu.dot_dimension_numbers<[1], [0], [0], [1], [0, 0, 1, 1], [], []>, transpose_lhs_hint = false} : vector<128x3xf32>, vector<3x64xf32>, vector<128x64xf32> -> vector<128x64xf32>
    %broadcast_in_dim3A = vector.shape_cast %dot_general3A_14 : vector<128x64xf32> to vector<128x1x64xf32>
    %broadcast_in_dim3A_15 = vector.shape_cast %broadcast_in_dim3A : vector<128x1x64xf32> to vector<128x1x64xf32>
    %broadcast_in_dim3A_16 = vector.broadcast %broadcast_in_dim3A_15 : vector<128x1x64xf32> to vector<128x32x64xf32>
    %reshape3A = vector.shape_cast %broadcast_in_dim3A_16 : vector<128x32x64xf32> to vector<4096x64xf32>
    %sub3A = arith.subf %dot_general3A_11, %reshape3A : vector<4096x64xf32>
    %add3A = vector.broadcast %get3A_1 : vector<1x64xf32> to vector<4096x64xf32>
    %add3A_17 = arith.addf %sub3A, %add3A : vector<4096x64xf32>
    %eq3A = arith.constant 0 : i32
    %eq3A_18 = arith.cmpi eq, %arg0, %eq3A : i32
    %convert_element_type3A = arith.extui %eq3A_18 : i1 to i32
    %cond3A = arith.constant 0 : i32
    %cond3A_19 = arith.cmpi ne, %convert_element_type3A, %cond3A : i32
    scf.if %cond3A_19 {
      %broadcast_in_dim3A_38 = arith.constant 0.000000e+00 : f32
      %broadcast_in_dim3A_39 = vector.broadcast %broadcast_in_dim3A_38 : f32 to vector<8x128xf32>
      %swap3A_40 = arith.constant 0 : index
      %swap3A_41 = arith.constant 0 : index
      %swap3A_42 = vector.load %arg5[%swap3A_40, %swap3A_41] : memref<8x128xf32, #tpu.memory_space<vmem>>, vector<8x128xf32>
      tpu.vector_store %arg5[%swap3A_40, %swap3A_41], %broadcast_in_dim3A_39 {strides = array<i32>} : memref<8x128xf32, #tpu.memory_space<vmem>>, vector<8x128xf32>,
    } else {
    }
    %get3A_20 = arith.constant 0 : index
    %get3A_21 = arith.constant 0 : index
    %get3A_22 = vector.load %arg5[%get3A_20, %get3A_21] : memref<8x128xf32, #tpu.memory_space<vmem>>, vector<1x64xf32>
    %reduce_sum3A = arith.constant dense<0.000000e+00> : vector<64xf32>
    %reduce_sum3A_23 = vector.multi_reduction <add>, %add3A_17, %reduce_sum3A [0] : vector<4096x64xf32> to vector<64xf32>
    %broadcast_in_dim3A_24 = vector.shape_cast %reduce_sum3A_23 : vector<64xf32> to vector<1x64xf32>
    %add3A_25 = arith.addf %get3A_22, %broadcast_in_dim3A_24 : vector<1x64xf32>
    %swap3A = arith.constant 0 : index
    %swap3A_26 = arith.constant 0 : index
    %swap3A_27 = vector.load %arg5[%swap3A, %swap3A_26] : memref<8x128xf32, #tpu.memory_space<vmem>>, vector<1x64xf32>
    tpu.vector_store %arg5[%swap3A, %swap3A_26], %add3A_25 {strides = array<i32>} : memref<8x128xf32, #tpu.memory_space<vmem>>, vector<1x64xf32>,
    %get3A_28 = arith.constant 1 : index
    %get3A_29 = arith.constant 0 : index
    %get3A_30 = vector.load %arg5[%get3A_28, %get3A_29] : memref<8x128xf32, #tpu.memory_space<vmem>>, vector<1x64xf32>
    %mul3A = arith.mulf %add3A_17, %add3A_17 : vector<4096x64xf32>
    %reduce_sum3A_31 = arith.constant dense<0.000000e+00> : vector<64xf32>
    %reduce_sum3A_32 = vector.multi_reduction <add>, %mul3A, %reduce_sum3A_31 [0] : vector<4096x64xf32> to vector<64xf32>
    %broadcast_in_dim3A_33 = vector.shape_cast %reduce_sum3A_32 : vector<64xf32> to vector<1x64xf32>
    %add3A_34 = arith.addf %get3A_30, %broadcast_in_dim3A_33 : vector<1x64xf32>
    %swap3A_35 = arith.constant 1 : index
    %swap3A_36 = arith.constant 0 : index
    %swap3A_37 = vector.load %arg5[%swap3A_35, %swap3A_36] : memref<8x128xf32, #tpu.memory_space<vmem>>, vector<1x64xf32>
    tpu.vector_store %arg5[%swap3A_35, %swap3A_36], %add3A_34 {strides = array<i32>} : memref<8x128xf32, #tpu.memory_space<vmem>>, vector<1x64xf32>,
    return
  }
  func.func @transform_0(%arg0: i32) -> (i32, i32) {
    %c0_i32 = arith.constant 0 : i32
    %c0_i32_0 = arith.constant 0 : i32
    return %arg0, %c0_i32 : i32, i32
  }
  func.func @transform_1(%arg0: i32) -> (i32, i32) {
    %c0_i32 = arith.constant 0 : i32
    %c0_i32_0 = arith.constant 0 : i32
    return %arg0, %c0_i32 : i32, i32
  }
  func.func @transform_2(%arg0: i32) -> (i32, i32) {
    %c0_i32 = arith.constant 0 : i32
    %c0_i32_0 = arith.constant 0 : i32
    %c0_i32_1 = arith.constant 0 : i32
    return %c0_i32, %c0_i32_0 : i32, i32
  }
  func.func @transform_3(%arg0: i32) -> (i32, i32) {
    %c0_i32 = arith.constant 0 : i32
    %c0_i32_0 = arith.constant 0 : i32
    %c0_i32_1 = arith.constant 0 : i32
    return %c0_i32, %c0_i32_0 : i32, i32
  }
  func.func @transform_4(%arg0: i32) -> (i32, i32) {
    %c0_i32 = arith.constant 0 : i32
    %c0_i32_0 = arith.constant 0 : i32
    %c0_i32_1 = arith.constant 0 : i32
    return %c0_i32, %c0_i32_0 : i32, i32
  }
}

module attributes {stable_mosaic.version = 14 : i64} {
  func.func @_m2_body(%arg0: i32, %arg1: memref<4096x16xf32, #tpu.memory_space<vmem>>, %arg2: memref<128x3xf32, #tpu.memory_space<vmem>>, %arg3: memref<64x16xf32, #tpu.memory_space<vmem>>, %arg4: memref<64x64xf32, #tpu.memory_space<vmem>>, %arg5: memref<8x128xf32, #tpu.memory_space<vmem>>, %arg6: memref<8x128xf32, #tpu.memory_space<vmem>>, %arg7: memref<8x128xf32, #tpu.memory_space<vmem>>) attributes {dimension_semantics = [#tpu.dimension_semantics<arbitrary>], iteration_bounds = array<i64: 64>, scalar_prefetch = 0 : i64, scratch_operands = 0 : i64, tpu.core_type = #tpu.core_type<tc>, window_params = [{transform_indices = @transform_0, window_bounds = array<i64: 4096, 16>}, {transform_indices = @transform_1, window_bounds = array<i64: 128, 3>}, {pipeline_mode = #tpu.pipeline_mode<synchronous>, transform_indices = @transform_2, window_bounds = array<i64: 64, 16>}, {pipeline_mode = #tpu.pipeline_mode<synchronous>, transform_indices = @transform_3, window_bounds = array<i64: 64, 64>}, {pipeline_mode = #tpu.pipeline_mode<synchronous>, transform_indices = @transform_4, window_bounds = array<i64: 8, 128>}, {pipeline_mode = #tpu.pipeline_mode<synchronous>, transform_indices = @transform_5, window_bounds = array<i64: 8, 128>}, {pipeline_mode = #tpu.pipeline_mode<synchronous>, transform_indices = @transform_6, window_bounds = array<i64: 8, 128>}]} {
    %get3A = arith.constant 0 : index
    %get3A_0 = arith.constant 0 : index
    %get3A_1 = vector.load %arg5[%get3A, %get3A_0] : memref<8x128xf32, #tpu.memory_space<vmem>>, vector<1x64xf32>
    %get3A_2 = arith.constant 0 : index
    %get3A_3 = arith.constant 0 : index
    %get3A_4 = vector.load %arg1[%get3A_2, %get3A_3] : memref<4096x16xf32, #tpu.memory_space<vmem>>, vector<4096x16xf32>
    %get3A_5 = arith.constant 0 : index
    %get3A_6 = arith.constant 0 : index
    %get3A_7 = vector.load %arg2[%get3A_5, %get3A_6] : memref<128x3xf32, #tpu.memory_space<vmem>>, vector<128x3xf32>
    %get3A_8 = arith.constant 0 : index
    %get3A_9 = arith.constant 0 : index
    %get3A_10 = vector.load %arg3[%get3A_8, %get3A_9] : memref<64x16xf32, #tpu.memory_space<vmem>>, vector<64x16xf32>
    %transpose3A = tpu.transpose %get3A_10, [1, 0] : vector<64x16xf32> -> vector<16x64xf32>
    %dot_general3A = arith.constant dense<0.000000e+00> : vector<4096x64xf32>
    %dot_general3A_11 = tpu.matmul %get3A_4, %transpose3A, %dot_general3A {dimension_numbers = #tpu.dot_dimension_numbers<[1], [0], [0], [1], [0, 0, 1, 1], [], []>, transpose_lhs_hint = false} : vector<4096x16xf32>, vector<16x64xf32>, vector<4096x64xf32> -> vector<4096x64xf32>
    %slice3A = vector.extract_strided_slice %get3A_10 {offsets = [0, 0], sizes = [64, 3], strides = [1, 1]} : vector<64x16xf32> to vector<64x3xf32>
    %transpose3A_12 = tpu.transpose %slice3A, [1, 0] : vector<64x3xf32> -> vector<3x64xf32>
    %dot_general3A_13 = arith.constant dense<0.000000e+00> : vector<128x64xf32>
    %dot_general3A_14 = tpu.matmul %get3A_7, %transpose3A_12, %dot_general3A_13 {dimension_numbers = #tpu.dot_dimension_numbers<[1], [0], [0], [1], [0, 0, 1, 1], [], []>, transpose_lhs_hint = false} : vector<128x3xf32>, vector<3x64xf32>, vector<128x64xf32> -> vector<128x64xf32>
    %broadcast_in_dim3A = vector.shape_cast %dot_general3A_14 : vector<128x64xf32> to vector<128x1x64xf32>
    %broadcast_in_dim3A_15 = vector.shape_cast %broadcast_in_dim3A : vector<128x1x64xf32> to vector<128x1x64xf32>
    %broadcast_in_dim3A_16 = vector.broadcast %broadcast_in_dim3A_15 : vector<128x1x64xf32> to vector<128x32x64xf32>
    %reshape3A = vector.shape_cast %broadcast_in_dim3A_16 : vector<128x32x64xf32> to vector<4096x64xf32>
    %sub3A = arith.subf %dot_general3A_11, %reshape3A : vector<4096x64xf32>
    %add3A = vector.broadcast %get3A_1 : vector<1x64xf32> to vector<4096x64xf32>
    %add3A_17 = arith.addf %sub3A, %add3A : vector<4096x64xf32>
    %get3A_18 = arith.constant 1 : index
    %get3A_19 = arith.constant 0 : index
    %get3A_20 = vector.load %arg5[%get3A_18, %get3A_19] : memref<8x128xf32, #tpu.memory_space<vmem>>, vector<1x64xf32>
    %get3A_21 = arith.constant 2 : index
    %get3A_22 = arith.constant 0 : index
    %get3A_23 = vector.load %arg5[%get3A_21, %get3A_22] : memref<8x128xf32, #tpu.memory_space<vmem>>, vector<1x64xf32>
    %get3A_24 = arith.constant 0 : index
    %get3A_25 = arith.constant 0 : index
    %get3A_26 = vector.load %arg6[%get3A_24, %get3A_25] : memref<8x128xf32, #tpu.memory_space<vmem>>, vector<1x64xf32>
    %get3A_27 = arith.constant 1 : index
    %get3A_28 = arith.constant 0 : index
    %get3A_29 = vector.load %arg6[%get3A_27, %get3A_28] : memref<8x128xf32, #tpu.memory_space<vmem>>, vector<1x64xf32>
    %mul3A = arith.constant 3.81469727E-6 : f32
    %mul3A_30 = vector.broadcast %mul3A : f32 to vector<1x64xf32>
    %mul3A_31 = arith.mulf %get3A_26, %mul3A_30 : vector<1x64xf32>
    %mul3A_32 = arith.constant 3.81469727E-6 : f32
    %mul3A_33 = vector.broadcast %mul3A_32 : f32 to vector<1x64xf32>
    %mul3A_34 = arith.mulf %get3A_29, %mul3A_33 : vector<1x64xf32>
    %mul3A_35 = arith.mulf %mul3A_31, %mul3A_31 : vector<1x64xf32>
    %sub3A_36 = arith.subf %mul3A_34, %mul3A_35 : vector<1x64xf32>
    %add3A_37 = arith.constant 9.99999974E-6 : f32
    %add3A_38 = vector.broadcast %add3A_37 : f32 to vector<1x64xf32>
    %add3A_39 = arith.addf %sub3A_36, %add3A_38 : vector<1x64xf32>
    %rsqrt3A = math.rsqrt %add3A_39 : vector<1x64xf32>
    %mul3A_40 = arith.mulf %get3A_20, %rsqrt3A : vector<1x64xf32>
    %mul3A_41 = arith.mulf %mul3A_31, %mul3A_40 : vector<1x64xf32>
    %sub3A_42 = arith.subf %get3A_23, %mul3A_41 : vector<1x64xf32>
    %mul3A_43 = vector.broadcast %mul3A_40 : vector<1x64xf32> to vector<4096x64xf32>
    %mul3A_44 = arith.mulf %add3A_17, %mul3A_43 : vector<4096x64xf32>
    %add3A_45 = vector.broadcast %sub3A_42 : vector<1x64xf32> to vector<4096x64xf32>
    %add3A_46 = arith.addf %mul3A_44, %add3A_45 : vector<4096x64xf32>
    %max3A = arith.constant 0.000000e+00 : f32
    %max3A_47 = vector.broadcast %max3A : f32 to vector<4096x64xf32>
    %max3A_48 = arith.maximumf %add3A_46, %max3A_47 : vector<4096x64xf32>
    %get3A_49 = arith.constant 0 : index
    %get3A_50 = arith.constant 0 : index
    %get3A_51 = vector.load %arg4[%get3A_49, %get3A_50] : memref<64x64xf32, #tpu.memory_space<vmem>>, vector<64x64xf32>
    %transpose3A_52 = tpu.transpose %get3A_51, [1, 0] : vector<64x64xf32> -> vector<64x64xf32>
    %dot_general3A_53 = arith.constant dense<0.000000e+00> : vector<4096x64xf32>
    %dot_general3A_54 = tpu.matmul %max3A_48, %transpose3A_52, %dot_general3A_53 {dimension_numbers = #tpu.dot_dimension_numbers<[1], [0], [0], [1], [0, 0, 1, 1], [], []>, transpose_lhs_hint = false} : vector<4096x64xf32>, vector<64x64xf32>, vector<4096x64xf32> -> vector<4096x64xf32>
    %get3A_55 = arith.constant 3 : index
    %get3A_56 = arith.constant 0 : index
    %get3A_57 = vector.load %arg5[%get3A_55, %get3A_56] : memref<8x128xf32, #tpu.memory_space<vmem>>, vector<1x64xf32>
    %add3A_58 = vector.broadcast %get3A_57 : vector<1x64xf32> to vector<4096x64xf32>
    %add3A_59 = arith.addf %dot_general3A_54, %add3A_58 : vector<4096x64xf32>
    %eq3A = arith.constant 0 : i32
    %eq3A_60 = arith.cmpi eq, %arg0, %eq3A : i32
    %convert_element_type3A = arith.extui %eq3A_60 : i1 to i32
    %cond3A = arith.constant 0 : i32
    %cond3A_61 = arith.cmpi ne, %convert_element_type3A, %cond3A : i32
    scf.if %cond3A_61 {
      %broadcast_in_dim3A_81 = arith.constant 0.000000e+00 : f32
      %broadcast_in_dim3A_82 = vector.broadcast %broadcast_in_dim3A_81 : f32 to vector<8x128xf32>
      %swap3A_83 = arith.constant 0 : index
      %swap3A_84 = arith.constant 0 : index
      %swap3A_85 = vector.load %arg7[%swap3A_83, %swap3A_84] : memref<8x128xf32, #tpu.memory_space<vmem>>, vector<8x128xf32>
      tpu.vector_store %arg7[%swap3A_83, %swap3A_84], %broadcast_in_dim3A_82 {strides = array<i32>} : memref<8x128xf32, #tpu.memory_space<vmem>>, vector<8x128xf32>,
    } else {
    }
    %get3A_62 = arith.constant 0 : index
    %get3A_63 = arith.constant 0 : index
    %get3A_64 = vector.load %arg7[%get3A_62, %get3A_63] : memref<8x128xf32, #tpu.memory_space<vmem>>, vector<1x64xf32>
    %reduce_sum3A = arith.constant dense<0.000000e+00> : vector<64xf32>
    %reduce_sum3A_65 = vector.multi_reduction <add>, %add3A_59, %reduce_sum3A [0] : vector<4096x64xf32> to vector<64xf32>
    %broadcast_in_dim3A_66 = vector.shape_cast %reduce_sum3A_65 : vector<64xf32> to vector<1x64xf32>
    %add3A_67 = arith.addf %get3A_64, %broadcast_in_dim3A_66 : vector<1x64xf32>
    %swap3A = arith.constant 0 : index
    %swap3A_68 = arith.constant 0 : index
    %swap3A_69 = vector.load %arg7[%swap3A, %swap3A_68] : memref<8x128xf32, #tpu.memory_space<vmem>>, vector<1x64xf32>
    tpu.vector_store %arg7[%swap3A, %swap3A_68], %add3A_67 {strides = array<i32>} : memref<8x128xf32, #tpu.memory_space<vmem>>, vector<1x64xf32>,
    %get3A_70 = arith.constant 1 : index
    %get3A_71 = arith.constant 0 : index
    %get3A_72 = vector.load %arg7[%get3A_70, %get3A_71] : memref<8x128xf32, #tpu.memory_space<vmem>>, vector<1x64xf32>
    %mul3A_73 = arith.mulf %add3A_59, %add3A_59 : vector<4096x64xf32>
    %reduce_sum3A_74 = arith.constant dense<0.000000e+00> : vector<64xf32>
    %reduce_sum3A_75 = vector.multi_reduction <add>, %mul3A_73, %reduce_sum3A_74 [0] : vector<4096x64xf32> to vector<64xf32>
    %broadcast_in_dim3A_76 = vector.shape_cast %reduce_sum3A_75 : vector<64xf32> to vector<1x64xf32>
    %add3A_77 = arith.addf %get3A_72, %broadcast_in_dim3A_76 : vector<1x64xf32>
    %swap3A_78 = arith.constant 1 : index
    %swap3A_79 = arith.constant 0 : index
    %swap3A_80 = vector.load %arg7[%swap3A_78, %swap3A_79] : memref<8x128xf32, #tpu.memory_space<vmem>>, vector<1x64xf32>
    tpu.vector_store %arg7[%swap3A_78, %swap3A_79], %add3A_77 {strides = array<i32>} : memref<8x128xf32, #tpu.memory_space<vmem>>, vector<1x64xf32>,
    return
  }
  func.func @transform_0(%arg0: i32) -> (i32, i32) {
    %c0_i32 = arith.constant 0 : i32
    %c0_i32_0 = arith.constant 0 : i32
    return %arg0, %c0_i32 : i32, i32
  }
  func.func @transform_1(%arg0: i32) -> (i32, i32) {
    %c0_i32 = arith.constant 0 : i32
    %c0_i32_0 = arith.constant 0 : i32
    return %arg0, %c0_i32 : i32, i32
  }
  func.func @transform_2(%arg0: i32) -> (i32, i32) {
    %c0_i32 = arith.constant 0 : i32
    %c0_i32_0 = arith.constant 0 : i32
    %c0_i32_1 = arith.constant 0 : i32
    return %c0_i32, %c0_i32_0 : i32, i32
  }
  func.func @transform_3(%arg0: i32) -> (i32, i32) {
    %c0_i32 = arith.constant 0 : i32
    %c0_i32_0 = arith.constant 0 : i32
    %c0_i32_1 = arith.constant 0 : i32
    return %c0_i32, %c0_i32_0 : i32, i32
  }
  func.func @transform_4(%arg0: i32) -> (i32, i32) {
    %c0_i32 = arith.constant 0 : i32
    %c0_i32_0 = arith.constant 0 : i32
    %c0_i32_1 = arith.constant 0 : i32
    return %c0_i32, %c0_i32_0 : i32, i32
  }
  func.func @transform_5(%arg0: i32) -> (i32, i32) {
    %c0_i32 = arith.constant 0 : i32
    %c0_i32_0 = arith.constant 0 : i32
    %c0_i32_1 = arith.constant 0 : i32
    return %c0_i32, %c0_i32_0 : i32, i32
  }
  func.func @transform_6(%arg0: i32) -> (i32, i32) {
    %c0_i32 = arith.constant 0 : i32
    %c0_i32_0 = arith.constant 0 : i32
    %c0_i32_1 = arith.constant 0 : i32
    return %c0_i32, %c0_i32_0 : i32, i32
  }
}

module attributes {stable_mosaic.version = 14 : i64} {
  func.func @_m3_body(%arg0: i32, %arg1: memref<4096x16xf32, #tpu.memory_space<vmem>>, %arg2: memref<128x3xf32, #tpu.memory_space<vmem>>, %arg3: memref<64x16xf32, #tpu.memory_space<vmem>>, %arg4: memref<64x64xf32, #tpu.memory_space<vmem>>, %arg5: memref<128x64xf32, #tpu.memory_space<vmem>>, %arg6: memref<8x128xf32, #tpu.memory_space<vmem>>, %arg7: memref<8x128xf32, #tpu.memory_space<vmem>>, %arg8: memref<8x128xf32, #tpu.memory_space<vmem>>, %arg9: memref<8x128xf32, #tpu.memory_space<vmem>>, %arg10: memref<8x128xf32, #tpu.memory_space<vmem>>) attributes {dimension_semantics = [#tpu.dimension_semantics<arbitrary>], iteration_bounds = array<i64: 64>, scalar_prefetch = 0 : i64, scratch_operands = 0 : i64, tpu.core_type = #tpu.core_type<tc>, window_params = [{transform_indices = @transform_0, window_bounds = array<i64: 4096, 16>}, {transform_indices = @transform_1, window_bounds = array<i64: 128, 3>}, {pipeline_mode = #tpu.pipeline_mode<synchronous>, transform_indices = @transform_2, window_bounds = array<i64: 64, 16>}, {pipeline_mode = #tpu.pipeline_mode<synchronous>, transform_indices = @transform_3, window_bounds = array<i64: 64, 64>}, {pipeline_mode = #tpu.pipeline_mode<synchronous>, transform_indices = @transform_4, window_bounds = array<i64: 128, 64>}, {pipeline_mode = #tpu.pipeline_mode<synchronous>, transform_indices = @transform_5, window_bounds = array<i64: 8, 128>}, {pipeline_mode = #tpu.pipeline_mode<synchronous>, transform_indices = @transform_6, window_bounds = array<i64: 8, 128>}, {pipeline_mode = #tpu.pipeline_mode<synchronous>, transform_indices = @transform_7, window_bounds = array<i64: 8, 128>}, {pipeline_mode = #tpu.pipeline_mode<synchronous>, transform_indices = @transform_8, window_bounds = array<i64: 8, 128>}, {pipeline_mode = #tpu.pipeline_mode<synchronous>, transform_indices = @transform_9, window_bounds = array<i64: 8, 128>}]} {
    %get3A = arith.constant 0 : index
    %get3A_0 = arith.constant 0 : index
    %get3A_1 = vector.load %arg6[%get3A, %get3A_0] : memref<8x128xf32, #tpu.memory_space<vmem>>, vector<1x64xf32>
    %get3A_2 = arith.constant 0 : index
    %get3A_3 = arith.constant 0 : index
    %get3A_4 = vector.load %arg1[%get3A_2, %get3A_3] : memref<4096x16xf32, #tpu.memory_space<vmem>>, vector<4096x16xf32>
    %get3A_5 = arith.constant 0 : index
    %get3A_6 = arith.constant 0 : index
    %get3A_7 = vector.load %arg2[%get3A_5, %get3A_6] : memref<128x3xf32, #tpu.memory_space<vmem>>, vector<128x3xf32>
    %get3A_8 = arith.constant 0 : index
    %get3A_9 = arith.constant 0 : index
    %get3A_10 = vector.load %arg3[%get3A_8, %get3A_9] : memref<64x16xf32, #tpu.memory_space<vmem>>, vector<64x16xf32>
    %transpose3A = tpu.transpose %get3A_10, [1, 0] : vector<64x16xf32> -> vector<16x64xf32>
    %dot_general3A = arith.constant dense<0.000000e+00> : vector<4096x64xf32>
    %dot_general3A_11 = tpu.matmul %get3A_4, %transpose3A, %dot_general3A {dimension_numbers = #tpu.dot_dimension_numbers<[1], [0], [0], [1], [0, 0, 1, 1], [], []>, transpose_lhs_hint = false} : vector<4096x16xf32>, vector<16x64xf32>, vector<4096x64xf32> -> vector<4096x64xf32>
    %slice3A = vector.extract_strided_slice %get3A_10 {offsets = [0, 0], sizes = [64, 3], strides = [1, 1]} : vector<64x16xf32> to vector<64x3xf32>
    %transpose3A_12 = tpu.transpose %slice3A, [1, 0] : vector<64x3xf32> -> vector<3x64xf32>
    %dot_general3A_13 = arith.constant dense<0.000000e+00> : vector<128x64xf32>
    %dot_general3A_14 = tpu.matmul %get3A_7, %transpose3A_12, %dot_general3A_13 {dimension_numbers = #tpu.dot_dimension_numbers<[1], [0], [0], [1], [0, 0, 1, 1], [], []>, transpose_lhs_hint = false} : vector<128x3xf32>, vector<3x64xf32>, vector<128x64xf32> -> vector<128x64xf32>
    %broadcast_in_dim3A = vector.shape_cast %dot_general3A_14 : vector<128x64xf32> to vector<128x1x64xf32>
    %broadcast_in_dim3A_15 = vector.shape_cast %broadcast_in_dim3A : vector<128x1x64xf32> to vector<128x1x64xf32>
    %broadcast_in_dim3A_16 = vector.broadcast %broadcast_in_dim3A_15 : vector<128x1x64xf32> to vector<128x32x64xf32>
    %reshape3A = vector.shape_cast %broadcast_in_dim3A_16 : vector<128x32x64xf32> to vector<4096x64xf32>
    %sub3A = arith.subf %dot_general3A_11, %reshape3A : vector<4096x64xf32>
    %add3A = vector.broadcast %get3A_1 : vector<1x64xf32> to vector<4096x64xf32>
    %add3A_17 = arith.addf %sub3A, %add3A : vector<4096x64xf32>
    %get3A_18 = arith.constant 1 : index
    %get3A_19 = arith.constant 0 : index
    %get3A_20 = vector.load %arg6[%get3A_18, %get3A_19] : memref<8x128xf32, #tpu.memory_space<vmem>>, vector<1x64xf32>
    %get3A_21 = arith.constant 2 : index
    %get3A_22 = arith.constant 0 : index
    %get3A_23 = vector.load %arg6[%get3A_21, %get3A_22] : memref<8x128xf32, #tpu.memory_space<vmem>>, vector<1x64xf32>
    %get3A_24 = arith.constant 0 : index
    %get3A_25 = arith.constant 0 : index
    %get3A_26 = vector.load %arg8[%get3A_24, %get3A_25] : memref<8x128xf32, #tpu.memory_space<vmem>>, vector<1x64xf32>
    %get3A_27 = arith.constant 1 : index
    %get3A_28 = arith.constant 0 : index
    %get3A_29 = vector.load %arg8[%get3A_27, %get3A_28] : memref<8x128xf32, #tpu.memory_space<vmem>>, vector<1x64xf32>
    %mul3A = arith.constant 3.81469727E-6 : f32
    %mul3A_30 = vector.broadcast %mul3A : f32 to vector<1x64xf32>
    %mul3A_31 = arith.mulf %get3A_26, %mul3A_30 : vector<1x64xf32>
    %mul3A_32 = arith.constant 3.81469727E-6 : f32
    %mul3A_33 = vector.broadcast %mul3A_32 : f32 to vector<1x64xf32>
    %mul3A_34 = arith.mulf %get3A_29, %mul3A_33 : vector<1x64xf32>
    %mul3A_35 = arith.mulf %mul3A_31, %mul3A_31 : vector<1x64xf32>
    %sub3A_36 = arith.subf %mul3A_34, %mul3A_35 : vector<1x64xf32>
    %add3A_37 = arith.constant 9.99999974E-6 : f32
    %add3A_38 = vector.broadcast %add3A_37 : f32 to vector<1x64xf32>
    %add3A_39 = arith.addf %sub3A_36, %add3A_38 : vector<1x64xf32>
    %rsqrt3A = math.rsqrt %add3A_39 : vector<1x64xf32>
    %mul3A_40 = arith.mulf %get3A_20, %rsqrt3A : vector<1x64xf32>
    %mul3A_41 = arith.mulf %mul3A_31, %mul3A_40 : vector<1x64xf32>
    %sub3A_42 = arith.subf %get3A_23, %mul3A_41 : vector<1x64xf32>
    %mul3A_43 = vector.broadcast %mul3A_40 : vector<1x64xf32> to vector<4096x64xf32>
    %mul3A_44 = arith.mulf %add3A_17, %mul3A_43 : vector<4096x64xf32>
    %add3A_45 = vector.broadcast %sub3A_42 : vector<1x64xf32> to vector<4096x64xf32>
    %add3A_46 = arith.addf %mul3A_44, %add3A_45 : vector<4096x64xf32>
    %max3A = arith.constant 0.000000e+00 : f32
    %max3A_47 = vector.broadcast %max3A : f32 to vector<4096x64xf32>
    %max3A_48 = arith.maximumf %add3A_46, %max3A_47 : vector<4096x64xf32>
    %get3A_49 = arith.constant 0 : index
    %get3A_50 = arith.constant 0 : index
    %get3A_51 = vector.load %arg4[%get3A_49, %get3A_50] : memref<64x64xf32, #tpu.memory_space<vmem>>, vector<64x64xf32>
    %transpose3A_52 = tpu.transpose %get3A_51, [1, 0] : vector<64x64xf32> -> vector<64x64xf32>
    %dot_general3A_53 = arith.constant dense<0.000000e+00> : vector<4096x64xf32>
    %dot_general3A_54 = tpu.matmul %max3A_48, %transpose3A_52, %dot_general3A_53 {dimension_numbers = #tpu.dot_dimension_numbers<[1], [0], [0], [1], [0, 0, 1, 1], [], []>, transpose_lhs_hint = false} : vector<4096x64xf32>, vector<64x64xf32>, vector<4096x64xf32> -> vector<4096x64xf32>
    %get3A_55 = arith.constant 3 : index
    %get3A_56 = arith.constant 0 : index
    %get3A_57 = vector.load %arg6[%get3A_55, %get3A_56] : memref<8x128xf32, #tpu.memory_space<vmem>>, vector<1x64xf32>
    %add3A_58 = vector.broadcast %get3A_57 : vector<1x64xf32> to vector<4096x64xf32>
    %add3A_59 = arith.addf %dot_general3A_54, %add3A_58 : vector<4096x64xf32>
    %get3A_60 = arith.constant 4 : index
    %get3A_61 = arith.constant 0 : index
    %get3A_62 = vector.load %arg6[%get3A_60, %get3A_61] : memref<8x128xf32, #tpu.memory_space<vmem>>, vector<1x64xf32>
    %get3A_63 = arith.constant 5 : index
    %get3A_64 = arith.constant 0 : index
    %get3A_65 = vector.load %arg6[%get3A_63, %get3A_64] : memref<8x128xf32, #tpu.memory_space<vmem>>, vector<1x64xf32>
    %get3A_66 = arith.constant 0 : index
    %get3A_67 = arith.constant 0 : index
    %get3A_68 = vector.load %arg9[%get3A_66, %get3A_67] : memref<8x128xf32, #tpu.memory_space<vmem>>, vector<1x64xf32>
    %get3A_69 = arith.constant 1 : index
    %get3A_70 = arith.constant 0 : index
    %get3A_71 = vector.load %arg9[%get3A_69, %get3A_70] : memref<8x128xf32, #tpu.memory_space<vmem>>, vector<1x64xf32>
    %mul3A_72 = arith.constant 3.81469727E-6 : f32
    %mul3A_73 = vector.broadcast %mul3A_72 : f32 to vector<1x64xf32>
    %mul3A_74 = arith.mulf %get3A_68, %mul3A_73 : vector<1x64xf32>
    %mul3A_75 = arith.constant 3.81469727E-6 : f32
    %mul3A_76 = vector.broadcast %mul3A_75 : f32 to vector<1x64xf32>
    %mul3A_77 = arith.mulf %get3A_71, %mul3A_76 : vector<1x64xf32>
    %mul3A_78 = arith.mulf %mul3A_74, %mul3A_74 : vector<1x64xf32>
    %sub3A_79 = arith.subf %mul3A_77, %mul3A_78 : vector<1x64xf32>
    %add3A_80 = arith.constant 9.99999974E-6 : f32
    %add3A_81 = vector.broadcast %add3A_80 : f32 to vector<1x64xf32>
    %add3A_82 = arith.addf %sub3A_79, %add3A_81 : vector<1x64xf32>
    %rsqrt3A_83 = math.rsqrt %add3A_82 : vector<1x64xf32>
    %mul3A_84 = arith.mulf %get3A_62, %rsqrt3A_83 : vector<1x64xf32>
    %mul3A_85 = arith.mulf %mul3A_74, %mul3A_84 : vector<1x64xf32>
    %sub3A_86 = arith.subf %get3A_65, %mul3A_85 : vector<1x64xf32>
    %mul3A_87 = vector.broadcast %mul3A_84 : vector<1x64xf32> to vector<4096x64xf32>
    %mul3A_88 = arith.mulf %add3A_59, %mul3A_87 : vector<4096x64xf32>
    %add3A_89 = vector.broadcast %sub3A_86 : vector<1x64xf32> to vector<4096x64xf32>
    %add3A_90 = arith.addf %mul3A_88, %add3A_89 : vector<4096x64xf32>
    %max3A_91 = arith.constant 0.000000e+00 : f32
    %max3A_92 = vector.broadcast %max3A_91 : f32 to vector<4096x64xf32>
    %max3A_93 = arith.maximumf %add3A_90, %max3A_92 : vector<4096x64xf32>
    %get3A_94 = arith.constant 0 : index
    %get3A_95 = arith.constant 0 : index
    %get3A_96 = vector.load %arg5[%get3A_94, %get3A_95] : memref<128x64xf32, #tpu.memory_space<vmem>>, vector<128x64xf32>
    %transpose3A_97 = tpu.transpose %get3A_96, [1, 0] : vector<128x64xf32> -> vector<64x128xf32>
    %dot_general3A_98 = arith.constant dense<0.000000e+00> : vector<4096x128xf32>
    %dot_general3A_99 = tpu.matmul %max3A_93, %transpose3A_97, %dot_general3A_98 {dimension_numbers = #tpu.dot_dimension_numbers<[1], [0], [0], [1], [0, 0, 1, 1], [], []>, transpose_lhs_hint = false} : vector<4096x64xf32>, vector<64x128xf32>, vector<4096x128xf32> -> vector<4096x128xf32>
    %get3A_100 = arith.constant 0 : index
    %get3A_101 = arith.constant 0 : index
    %get3A_102 = vector.load %arg7[%get3A_100, %get3A_101] : memref<8x128xf32, #tpu.memory_space<vmem>>, vector<1x128xf32>
    %add3A_103 = vector.broadcast %get3A_102 : vector<1x128xf32> to vector<4096x128xf32>
    %add3A_104 = arith.addf %dot_general3A_99, %add3A_103 : vector<4096x128xf32>
    %eq3A = arith.constant 0 : i32
    %eq3A_105 = arith.cmpi eq, %arg0, %eq3A : i32
    %convert_element_type3A = arith.extui %eq3A_105 : i1 to i32
    %cond3A = arith.constant 0 : i32
    %cond3A_106 = arith.cmpi ne, %convert_element_type3A, %cond3A : i32
    scf.if %cond3A_106 {
      %broadcast_in_dim3A_126 = arith.constant 0.000000e+00 : f32
      %broadcast_in_dim3A_127 = vector.broadcast %broadcast_in_dim3A_126 : f32 to vector<8x128xf32>
      %swap3A_128 = arith.constant 0 : index
      %swap3A_129 = arith.constant 0 : index
      %swap3A_130 = vector.load %arg10[%swap3A_128, %swap3A_129] : memref<8x128xf32, #tpu.memory_space<vmem>>, vector<8x128xf32>
      tpu.vector_store %arg10[%swap3A_128, %swap3A_129], %broadcast_in_dim3A_127 {strides = array<i32>} : memref<8x128xf32, #tpu.memory_space<vmem>>, vector<8x128xf32>,
    } else {
    }
    %get3A_107 = arith.constant 0 : index
    %get3A_108 = arith.constant 0 : index
    %get3A_109 = vector.load %arg10[%get3A_107, %get3A_108] : memref<8x128xf32, #tpu.memory_space<vmem>>, vector<1x128xf32>
    %reduce_sum3A = arith.constant dense<0.000000e+00> : vector<128xf32>
    %reduce_sum3A_110 = vector.multi_reduction <add>, %add3A_104, %reduce_sum3A [0] : vector<4096x128xf32> to vector<128xf32>
    %broadcast_in_dim3A_111 = vector.shape_cast %reduce_sum3A_110 : vector<128xf32> to vector<1x128xf32>
    %add3A_112 = arith.addf %get3A_109, %broadcast_in_dim3A_111 : vector<1x128xf32>
    %swap3A = arith.constant 0 : index
    %swap3A_113 = arith.constant 0 : index
    %swap3A_114 = vector.load %arg10[%swap3A, %swap3A_113] : memref<8x128xf32, #tpu.memory_space<vmem>>, vector<1x128xf32>
    tpu.vector_store %arg10[%swap3A, %swap3A_113], %add3A_112 {strides = array<i32>} : memref<8x128xf32, #tpu.memory_space<vmem>>, vector<1x128xf32>,
    %get3A_115 = arith.constant 1 : index
    %get3A_116 = arith.constant 0 : index
    %get3A_117 = vector.load %arg10[%get3A_115, %get3A_116] : memref<8x128xf32, #tpu.memory_space<vmem>>, vector<1x128xf32>
    %mul3A_118 = arith.mulf %add3A_104, %add3A_104 : vector<4096x128xf32>
    %reduce_sum3A_119 = arith.constant dense<0.000000e+00> : vector<128xf32>
    %reduce_sum3A_120 = vector.multi_reduction <add>, %mul3A_118, %reduce_sum3A_119 [0] : vector<4096x128xf32> to vector<128xf32>
    %broadcast_in_dim3A_121 = vector.shape_cast %reduce_sum3A_120 : vector<128xf32> to vector<1x128xf32>
    %add3A_122 = arith.addf %get3A_117, %broadcast_in_dim3A_121 : vector<1x128xf32>
    %swap3A_123 = arith.constant 1 : index
    %swap3A_124 = arith.constant 0 : index
    %swap3A_125 = vector.load %arg10[%swap3A_123, %swap3A_124] : memref<8x128xf32, #tpu.memory_space<vmem>>, vector<1x128xf32>
    tpu.vector_store %arg10[%swap3A_123, %swap3A_124], %add3A_122 {strides = array<i32>} : memref<8x128xf32, #tpu.memory_space<vmem>>, vector<1x128xf32>,
    return
  }
  func.func @transform_0(%arg0: i32) -> (i32, i32) {
    %c0_i32 = arith.constant 0 : i32
    %c0_i32_0 = arith.constant 0 : i32
    return %arg0, %c0_i32 : i32, i32
  }
  func.func @transform_1(%arg0: i32) -> (i32, i32) {
    %c0_i32 = arith.constant 0 : i32
    %c0_i32_0 = arith.constant 0 : i32
    return %arg0, %c0_i32 : i32, i32
  }
  func.func @transform_2(%arg0: i32) -> (i32, i32) {
    %c0_i32 = arith.constant 0 : i32
    %c0_i32_0 = arith.constant 0 : i32
    %c0_i32_1 = arith.constant 0 : i32
    return %c0_i32, %c0_i32_0 : i32, i32
  }
  func.func @transform_3(%arg0: i32) -> (i32, i32) {
    %c0_i32 = arith.constant 0 : i32
    %c0_i32_0 = arith.constant 0 : i32
    %c0_i32_1 = arith.constant 0 : i32
    return %c0_i32, %c0_i32_0 : i32, i32
  }
  func.func @transform_4(%arg0: i32) -> (i32, i32) {
    %c0_i32 = arith.constant 0 : i32
    %c0_i32_0 = arith.constant 0 : i32
    %c0_i32_1 = arith.constant 0 : i32
    return %c0_i32, %c0_i32_0 : i32, i32
  }
  func.func @transform_5(%arg0: i32) -> (i32, i32) {
    %c0_i32 = arith.constant 0 : i32
    %c0_i32_0 = arith.constant 0 : i32
    %c0_i32_1 = arith.constant 0 : i32
    return %c0_i32, %c0_i32_0 : i32, i32
  }
  func.func @transform_6(%arg0: i32) -> (i32, i32) {
    %c0_i32 = arith.constant 0 : i32
    %c0_i32_0 = arith.constant 0 : i32
    %c0_i32_1 = arith.constant 0 : i32
    return %c0_i32, %c0_i32_0 : i32, i32
  }
  func.func @transform_7(%arg0: i32) -> (i32, i32) {
    %c0_i32 = arith.constant 0 : i32
    %c0_i32_0 = arith.constant 0 : i32
    %c0_i32_1 = arith.constant 0 : i32
    return %c0_i32, %c0_i32_0 : i32, i32
  }
  func.func @transform_8(%arg0: i32) -> (i32, i32) {
    %c0_i32 = arith.constant 0 : i32
    %c0_i32_0 = arith.constant 0 : i32
    %c0_i32_1 = arith.constant 0 : i32
    return %c0_i32, %c0_i32_0 : i32, i32
  }
  func.func @transform_9(%arg0: i32) -> (i32, i32) {
    %c0_i32 = arith.constant 0 : i32
    %c0_i32_0 = arith.constant 0 : i32
    %c0_i32_1 = arith.constant 0 : i32
    return %c0_i32, %c0_i32_0 : i32, i32
  }
}

module attributes {stable_mosaic.version = 14 : i64} {
  func.func @_m4_body(%arg0: i32, %arg1: memref<4096x16xf32, #tpu.memory_space<vmem>>, %arg2: memref<128x3xf32, #tpu.memory_space<vmem>>, %arg3: memref<64x16xf32, #tpu.memory_space<vmem>>, %arg4: memref<64x64xf32, #tpu.memory_space<vmem>>, %arg5: memref<128x64xf32, #tpu.memory_space<vmem>>, %arg6: memref<8x128xf32, #tpu.memory_space<vmem>>, %arg7: memref<8x128xf32, #tpu.memory_space<vmem>>, %arg8: memref<8x128xf32, #tpu.memory_space<vmem>>, %arg9: memref<8x128xf32, #tpu.memory_space<vmem>>, %arg10: memref<8x128xf32, #tpu.memory_space<vmem>>, %arg11: memref<128x128xf32, #tpu.memory_space<vmem>>) attributes {dimension_semantics = [#tpu.dimension_semantics<arbitrary>], iteration_bounds = array<i64: 64>, scalar_prefetch = 0 : i64, scratch_operands = 0 : i64, tpu.core_type = #tpu.core_type<tc>, window_params = [{transform_indices = @transform_0, window_bounds = array<i64: 4096, 16>}, {transform_indices = @transform_1, window_bounds = array<i64: 128, 3>}, {pipeline_mode = #tpu.pipeline_mode<synchronous>, transform_indices = @transform_2, window_bounds = array<i64: 64, 16>}, {pipeline_mode = #tpu.pipeline_mode<synchronous>, transform_indices = @transform_3, window_bounds = array<i64: 64, 64>}, {pipeline_mode = #tpu.pipeline_mode<synchronous>, transform_indices = @transform_4, window_bounds = array<i64: 128, 64>}, {pipeline_mode = #tpu.pipeline_mode<synchronous>, transform_indices = @transform_5, window_bounds = array<i64: 8, 128>}, {pipeline_mode = #tpu.pipeline_mode<synchronous>, transform_indices = @transform_6, window_bounds = array<i64: 8, 128>}, {pipeline_mode = #tpu.pipeline_mode<synchronous>, transform_indices = @transform_7, window_bounds = array<i64: 8, 128>}, {pipeline_mode = #tpu.pipeline_mode<synchronous>, transform_indices = @transform_8, window_bounds = array<i64: 8, 128>}, {pipeline_mode = #tpu.pipeline_mode<synchronous>, transform_indices = @transform_9, window_bounds = array<i64: 8, 128>}, {transform_indices = @transform_10, window_bounds = array<i64: 128, 128>}]} {
    %get3A = arith.constant 0 : index
    %get3A_0 = arith.constant 0 : index
    %get3A_1 = vector.load %arg6[%get3A, %get3A_0] : memref<8x128xf32, #tpu.memory_space<vmem>>, vector<1x64xf32>
    %get3A_2 = arith.constant 0 : index
    %get3A_3 = arith.constant 0 : index
    %get3A_4 = vector.load %arg1[%get3A_2, %get3A_3] : memref<4096x16xf32, #tpu.memory_space<vmem>>, vector<4096x16xf32>
    %get3A_5 = arith.constant 0 : index
    %get3A_6 = arith.constant 0 : index
    %get3A_7 = vector.load %arg2[%get3A_5, %get3A_6] : memref<128x3xf32, #tpu.memory_space<vmem>>, vector<128x3xf32>
    %get3A_8 = arith.constant 0 : index
    %get3A_9 = arith.constant 0 : index
    %get3A_10 = vector.load %arg3[%get3A_8, %get3A_9] : memref<64x16xf32, #tpu.memory_space<vmem>>, vector<64x16xf32>
    %transpose3A = tpu.transpose %get3A_10, [1, 0] : vector<64x16xf32> -> vector<16x64xf32>
    %dot_general3A = arith.constant dense<0.000000e+00> : vector<4096x64xf32>
    %dot_general3A_11 = tpu.matmul %get3A_4, %transpose3A, %dot_general3A {dimension_numbers = #tpu.dot_dimension_numbers<[1], [0], [0], [1], [0, 0, 1, 1], [], []>, transpose_lhs_hint = false} : vector<4096x16xf32>, vector<16x64xf32>, vector<4096x64xf32> -> vector<4096x64xf32>
    %slice3A = vector.extract_strided_slice %get3A_10 {offsets = [0, 0], sizes = [64, 3], strides = [1, 1]} : vector<64x16xf32> to vector<64x3xf32>
    %transpose3A_12 = tpu.transpose %slice3A, [1, 0] : vector<64x3xf32> -> vector<3x64xf32>
    %dot_general3A_13 = arith.constant dense<0.000000e+00> : vector<128x64xf32>
    %dot_general3A_14 = tpu.matmul %get3A_7, %transpose3A_12, %dot_general3A_13 {dimension_numbers = #tpu.dot_dimension_numbers<[1], [0], [0], [1], [0, 0, 1, 1], [], []>, transpose_lhs_hint = false} : vector<128x3xf32>, vector<3x64xf32>, vector<128x64xf32> -> vector<128x64xf32>
    %broadcast_in_dim3A = vector.shape_cast %dot_general3A_14 : vector<128x64xf32> to vector<128x1x64xf32>
    %broadcast_in_dim3A_15 = vector.shape_cast %broadcast_in_dim3A : vector<128x1x64xf32> to vector<128x1x64xf32>
    %broadcast_in_dim3A_16 = vector.broadcast %broadcast_in_dim3A_15 : vector<128x1x64xf32> to vector<128x32x64xf32>
    %reshape3A = vector.shape_cast %broadcast_in_dim3A_16 : vector<128x32x64xf32> to vector<4096x64xf32>
    %sub3A = arith.subf %dot_general3A_11, %reshape3A : vector<4096x64xf32>
    %add3A = vector.broadcast %get3A_1 : vector<1x64xf32> to vector<4096x64xf32>
    %add3A_17 = arith.addf %sub3A, %add3A : vector<4096x64xf32>
    %get3A_18 = arith.constant 1 : index
    %get3A_19 = arith.constant 0 : index
    %get3A_20 = vector.load %arg6[%get3A_18, %get3A_19] : memref<8x128xf32, #tpu.memory_space<vmem>>, vector<1x64xf32>
    %get3A_21 = arith.constant 2 : index
    %get3A_22 = arith.constant 0 : index
    %get3A_23 = vector.load %arg6[%get3A_21, %get3A_22] : memref<8x128xf32, #tpu.memory_space<vmem>>, vector<1x64xf32>
    %get3A_24 = arith.constant 0 : index
    %get3A_25 = arith.constant 0 : index
    %get3A_26 = vector.load %arg8[%get3A_24, %get3A_25] : memref<8x128xf32, #tpu.memory_space<vmem>>, vector<1x64xf32>
    %get3A_27 = arith.constant 1 : index
    %get3A_28 = arith.constant 0 : index
    %get3A_29 = vector.load %arg8[%get3A_27, %get3A_28] : memref<8x128xf32, #tpu.memory_space<vmem>>, vector<1x64xf32>
    %mul3A = arith.constant 3.81469727E-6 : f32
    %mul3A_30 = vector.broadcast %mul3A : f32 to vector<1x64xf32>
    %mul3A_31 = arith.mulf %get3A_26, %mul3A_30 : vector<1x64xf32>
    %mul3A_32 = arith.constant 3.81469727E-6 : f32
    %mul3A_33 = vector.broadcast %mul3A_32 : f32 to vector<1x64xf32>
    %mul3A_34 = arith.mulf %get3A_29, %mul3A_33 : vector<1x64xf32>
    %mul3A_35 = arith.mulf %mul3A_31, %mul3A_31 : vector<1x64xf32>
    %sub3A_36 = arith.subf %mul3A_34, %mul3A_35 : vector<1x64xf32>
    %add3A_37 = arith.constant 9.99999974E-6 : f32
    %add3A_38 = vector.broadcast %add3A_37 : f32 to vector<1x64xf32>
    %add3A_39 = arith.addf %sub3A_36, %add3A_38 : vector<1x64xf32>
    %rsqrt3A = math.rsqrt %add3A_39 : vector<1x64xf32>
    %mul3A_40 = arith.mulf %get3A_20, %rsqrt3A : vector<1x64xf32>
    %mul3A_41 = arith.mulf %mul3A_31, %mul3A_40 : vector<1x64xf32>
    %sub3A_42 = arith.subf %get3A_23, %mul3A_41 : vector<1x64xf32>
    %mul3A_43 = vector.broadcast %mul3A_40 : vector<1x64xf32> to vector<4096x64xf32>
    %mul3A_44 = arith.mulf %add3A_17, %mul3A_43 : vector<4096x64xf32>
    %add3A_45 = vector.broadcast %sub3A_42 : vector<1x64xf32> to vector<4096x64xf32>
    %add3A_46 = arith.addf %mul3A_44, %add3A_45 : vector<4096x64xf32>
    %max3A = arith.constant 0.000000e+00 : f32
    %max3A_47 = vector.broadcast %max3A : f32 to vector<4096x64xf32>
    %max3A_48 = arith.maximumf %add3A_46, %max3A_47 : vector<4096x64xf32>
    %get3A_49 = arith.constant 0 : index
    %get3A_50 = arith.constant 0 : index
    %get3A_51 = vector.load %arg4[%get3A_49, %get3A_50] : memref<64x64xf32, #tpu.memory_space<vmem>>, vector<64x64xf32>
    %transpose3A_52 = tpu.transpose %get3A_51, [1, 0] : vector<64x64xf32> -> vector<64x64xf32>
    %dot_general3A_53 = arith.constant dense<0.000000e+00> : vector<4096x64xf32>
    %dot_general3A_54 = tpu.matmul %max3A_48, %transpose3A_52, %dot_general3A_53 {dimension_numbers = #tpu.dot_dimension_numbers<[1], [0], [0], [1], [0, 0, 1, 1], [], []>, transpose_lhs_hint = false} : vector<4096x64xf32>, vector<64x64xf32>, vector<4096x64xf32> -> vector<4096x64xf32>
    %get3A_55 = arith.constant 3 : index
    %get3A_56 = arith.constant 0 : index
    %get3A_57 = vector.load %arg6[%get3A_55, %get3A_56] : memref<8x128xf32, #tpu.memory_space<vmem>>, vector<1x64xf32>
    %add3A_58 = vector.broadcast %get3A_57 : vector<1x64xf32> to vector<4096x64xf32>
    %add3A_59 = arith.addf %dot_general3A_54, %add3A_58 : vector<4096x64xf32>
    %get3A_60 = arith.constant 4 : index
    %get3A_61 = arith.constant 0 : index
    %get3A_62 = vector.load %arg6[%get3A_60, %get3A_61] : memref<8x128xf32, #tpu.memory_space<vmem>>, vector<1x64xf32>
    %get3A_63 = arith.constant 5 : index
    %get3A_64 = arith.constant 0 : index
    %get3A_65 = vector.load %arg6[%get3A_63, %get3A_64] : memref<8x128xf32, #tpu.memory_space<vmem>>, vector<1x64xf32>
    %get3A_66 = arith.constant 0 : index
    %get3A_67 = arith.constant 0 : index
    %get3A_68 = vector.load %arg9[%get3A_66, %get3A_67] : memref<8x128xf32, #tpu.memory_space<vmem>>, vector<1x64xf32>
    %get3A_69 = arith.constant 1 : index
    %get3A_70 = arith.constant 0 : index
    %get3A_71 = vector.load %arg9[%get3A_69, %get3A_70] : memref<8x128xf32, #tpu.memory_space<vmem>>, vector<1x64xf32>
    %mul3A_72 = arith.constant 3.81469727E-6 : f32
    %mul3A_73 = vector.broadcast %mul3A_72 : f32 to vector<1x64xf32>
    %mul3A_74 = arith.mulf %get3A_68, %mul3A_73 : vector<1x64xf32>
    %mul3A_75 = arith.constant 3.81469727E-6 : f32
    %mul3A_76 = vector.broadcast %mul3A_75 : f32 to vector<1x64xf32>
    %mul3A_77 = arith.mulf %get3A_71, %mul3A_76 : vector<1x64xf32>
    %mul3A_78 = arith.mulf %mul3A_74, %mul3A_74 : vector<1x64xf32>
    %sub3A_79 = arith.subf %mul3A_77, %mul3A_78 : vector<1x64xf32>
    %add3A_80 = arith.constant 9.99999974E-6 : f32
    %add3A_81 = vector.broadcast %add3A_80 : f32 to vector<1x64xf32>
    %add3A_82 = arith.addf %sub3A_79, %add3A_81 : vector<1x64xf32>
    %rsqrt3A_83 = math.rsqrt %add3A_82 : vector<1x64xf32>
    %mul3A_84 = arith.mulf %get3A_62, %rsqrt3A_83 : vector<1x64xf32>
    %mul3A_85 = arith.mulf %mul3A_74, %mul3A_84 : vector<1x64xf32>
    %sub3A_86 = arith.subf %get3A_65, %mul3A_85 : vector<1x64xf32>
    %mul3A_87 = vector.broadcast %mul3A_84 : vector<1x64xf32> to vector<4096x64xf32>
    %mul3A_88 = arith.mulf %add3A_59, %mul3A_87 : vector<4096x64xf32>
    %add3A_89 = vector.broadcast %sub3A_86 : vector<1x64xf32> to vector<4096x64xf32>
    %add3A_90 = arith.addf %mul3A_88, %add3A_89 : vector<4096x64xf32>
    %max3A_91 = arith.constant 0.000000e+00 : f32
    %max3A_92 = vector.broadcast %max3A_91 : f32 to vector<4096x64xf32>
    %max3A_93 = arith.maximumf %add3A_90, %max3A_92 : vector<4096x64xf32>
    %get3A_94 = arith.constant 0 : index
    %get3A_95 = arith.constant 0 : index
    %get3A_96 = vector.load %arg5[%get3A_94, %get3A_95] : memref<128x64xf32, #tpu.memory_space<vmem>>, vector<128x64xf32>
    %transpose3A_97 = tpu.transpose %get3A_96, [1, 0] : vector<128x64xf32> -> vector<64x128xf32>
    %dot_general3A_98 = arith.constant dense<0.000000e+00> : vector<4096x128xf32>
    %dot_general3A_99 = tpu.matmul %max3A_93, %transpose3A_97, %dot_general3A_98 {dimension_numbers = #tpu.dot_dimension_numbers<[1], [0], [0], [1], [0, 0, 1, 1], [], []>, transpose_lhs_hint = false} : vector<4096x64xf32>, vector<64x128xf32>, vector<4096x128xf32> -> vector<4096x128xf32>
    %get3A_100 = arith.constant 0 : index
    %get3A_101 = arith.constant 0 : index
    %get3A_102 = vector.load %arg7[%get3A_100, %get3A_101] : memref<8x128xf32, #tpu.memory_space<vmem>>, vector<1x128xf32>
    %add3A_103 = vector.broadcast %get3A_102 : vector<1x128xf32> to vector<4096x128xf32>
    %add3A_104 = arith.addf %dot_general3A_99, %add3A_103 : vector<4096x128xf32>
    %get3A_105 = arith.constant 1 : index
    %get3A_106 = arith.constant 0 : index
    %get3A_107 = vector.load %arg7[%get3A_105, %get3A_106] : memref<8x128xf32, #tpu.memory_space<vmem>>, vector<1x128xf32>
    %get3A_108 = arith.constant 2 : index
    %get3A_109 = arith.constant 0 : index
    %get3A_110 = vector.load %arg7[%get3A_108, %get3A_109] : memref<8x128xf32, #tpu.memory_space<vmem>>, vector<1x128xf32>
    %get3A_111 = arith.constant 0 : index
    %get3A_112 = arith.constant 0 : index
    %get3A_113 = vector.load %arg10[%get3A_111, %get3A_112] : memref<8x128xf32, #tpu.memory_space<vmem>>, vector<1x128xf32>
    %get3A_114 = arith.constant 1 : index
    %get3A_115 = arith.constant 0 : index
    %get3A_116 = vector.load %arg10[%get3A_114, %get3A_115] : memref<8x128xf32, #tpu.memory_space<vmem>>, vector<1x128xf32>
    %mul3A_117 = arith.constant 3.81469727E-6 : f32
    %mul3A_118 = vector.broadcast %mul3A_117 : f32 to vector<1x128xf32>
    %mul3A_119 = arith.mulf %get3A_113, %mul3A_118 : vector<1x128xf32>
    %mul3A_120 = arith.constant 3.81469727E-6 : f32
    %mul3A_121 = vector.broadcast %mul3A_120 : f32 to vector<1x128xf32>
    %mul3A_122 = arith.mulf %get3A_116, %mul3A_121 : vector<1x128xf32>
    %mul3A_123 = arith.mulf %mul3A_119, %mul3A_119 : vector<1x128xf32>
    %sub3A_124 = arith.subf %mul3A_122, %mul3A_123 : vector<1x128xf32>
    %add3A_125 = arith.constant 9.99999974E-6 : f32
    %add3A_126 = vector.broadcast %add3A_125 : f32 to vector<1x128xf32>
    %add3A_127 = arith.addf %sub3A_124, %add3A_126 : vector<1x128xf32>
    %rsqrt3A_128 = math.rsqrt %add3A_127 : vector<1x128xf32>
    %mul3A_129 = arith.mulf %get3A_107, %rsqrt3A_128 : vector<1x128xf32>
    %mul3A_130 = arith.mulf %mul3A_119, %mul3A_129 : vector<1x128xf32>
    %sub3A_131 = arith.subf %get3A_110, %mul3A_130 : vector<1x128xf32>
    %mul3A_132 = vector.broadcast %mul3A_129 : vector<1x128xf32> to vector<4096x128xf32>
    %mul3A_133 = arith.mulf %add3A_104, %mul3A_132 : vector<4096x128xf32>
    %add3A_134 = vector.broadcast %sub3A_131 : vector<1x128xf32> to vector<4096x128xf32>
    %add3A_135 = arith.addf %mul3A_133, %add3A_134 : vector<4096x128xf32>
    %max3A_136 = arith.constant 0.000000e+00 : f32
    %max3A_137 = vector.broadcast %max3A_136 : f32 to vector<4096x128xf32>
    %max3A_138 = arith.maximumf %add3A_135, %max3A_137 : vector<4096x128xf32>
    %reshape3A_139 = vector.shape_cast %max3A_138 : vector<4096x128xf32> to vector<128x32x128xf32>
    %reduce_max3A = arith.constant dense<0xFF800000> : vector<128x128xf32>
    %reduce_max3A_140 = vector.multi_reduction <maximumf>, %reshape3A_139, %reduce_max3A [1] : vector<128x32x128xf32> to vector<128x128xf32>
    %swap3A = arith.constant 0 : index
    %swap3A_141 = arith.constant 0 : index
    %swap3A_142 = vector.load %arg11[%swap3A, %swap3A_141] : memref<128x128xf32, #tpu.memory_space<vmem>>, vector<128x128xf32>
    tpu.vector_store %arg11[%swap3A, %swap3A_141], %reduce_max3A_140 {strides = array<i32>} : memref<128x128xf32, #tpu.memory_space<vmem>>, vector<128x128xf32>,
    return
  }
  func.func @transform_0(%arg0: i32) -> (i32, i32) {
    %c0_i32 = arith.constant 0 : i32
    %c0_i32_0 = arith.constant 0 : i32
    return %arg0, %c0_i32 : i32, i32
  }
  func.func @transform_1(%arg0: i32) -> (i32, i32) {
    %c0_i32 = arith.constant 0 : i32
    %c0_i32_0 = arith.constant 0 : i32
    return %arg0, %c0_i32 : i32, i32
  }
  func.func @transform_2(%arg0: i32) -> (i32, i32) {
    %c0_i32 = arith.constant 0 : i32
    %c0_i32_0 = arith.constant 0 : i32
    %c0_i32_1 = arith.constant 0 : i32
    return %c0_i32, %c0_i32_0 : i32, i32
  }
  func.func @transform_3(%arg0: i32) -> (i32, i32) {
    %c0_i32 = arith.constant 0 : i32
    %c0_i32_0 = arith.constant 0 : i32
    %c0_i32_1 = arith.constant 0 : i32
    return %c0_i32, %c0_i32_0 : i32, i32
  }
  func.func @transform_4(%arg0: i32) -> (i32, i32) {
    %c0_i32 = arith.constant 0 : i32
    %c0_i32_0 = arith.constant 0 : i32
    %c0_i32_1 = arith.constant 0 : i32
    return %c0_i32, %c0_i32_0 : i32, i32
  }
  func.func @transform_5(%arg0: i32) -> (i32, i32) {
    %c0_i32 = arith.constant 0 : i32
    %c0_i32_0 = arith.constant 0 : i32
    %c0_i32_1 = arith.constant 0 : i32
    return %c0_i32, %c0_i32_0 : i32, i32
  }
  func.func @transform_6(%arg0: i32) -> (i32, i32) {
    %c0_i32 = arith.constant 0 : i32
    %c0_i32_0 = arith.constant 0 : i32
    %c0_i32_1 = arith.constant 0 : i32
    return %c0_i32, %c0_i32_0 : i32, i32
  }
  func.func @transform_7(%arg0: i32) -> (i32, i32) {
    %c0_i32 = arith.constant 0 : i32
    %c0_i32_0 = arith.constant 0 : i32
    %c0_i32_1 = arith.constant 0 : i32
    return %c0_i32, %c0_i32_0 : i32, i32
  }
  func.func @transform_8(%arg0: i32) -> (i32, i32) {
    %c0_i32 = arith.constant 0 : i32
    %c0_i32_0 = arith.constant 0 : i32
    %c0_i32_1 = arith.constant 0 : i32
    return %c0_i32, %c0_i32_0 : i32, i32
  }
  func.func @transform_9(%arg0: i32) -> (i32, i32) {
    %c0_i32 = arith.constant 0 : i32
    %c0_i32_0 = arith.constant 0 : i32
    %c0_i32_1 = arith.constant 0 : i32
    return %c0_i32, %c0_i32_0 : i32, i32
  }
  func.func @transform_10(%arg0: i32) -> (i32, i32) {
    %c0_i32 = arith.constant 0 : i32
    %c0_i32_0 = arith.constant 0 : i32
    return %arg0, %c0_i32 : i32, i32
  }
}

</mosaic_0001>

<sc_bundles>
// kernel: kernel.9.cloned.1.call-start
scs
__scs_entry_jumppad:
0x0: {  	(pc) =	sbr.rel $0x88, $3  }
0x1: {  	(tag) =	ssettag $0x0;
	lr =	simm.s32 $0x1  }
0x2: {  	[smem:$0x3F93] =	sst lr;
	_ =	strace $0xD0000000  }
0x3: {  	_ = 	snop  }
0x4: {  	_ = 	snop  }
0x5: {  	_ = 	snop  }
0x6: {  	_ = 	snop  }
0x7: {  	_ = 	snop  }
__scs_overlays_trampoline_lowered:
0x8: {  	[smem:$0x3FA2] =	sst s0  }
0x9: {  	[smem:$0x3FA3] =	sst s1  }
0xa: {  	[smem:$0x3FA4] =	sst s2  }
0xb: {  	[smem:$0x3FA5] =	sst s3  }
0xc: {  	[smem:$0x3FA6] =	sst s4  }
0xd: {  	[smem:$0x3FA7] =	sst s5  }
0xe: {  	[smem:$0x3FA8] =	sst s6  }
0xf: {  	[smem:$0x3FA9] =	sst s7  }
0x10: {  	[smem:$0x3FAA] =	sst s8  }
0x11: {  	[smem:$0x3FAB] =	sst s9;
	s0 =	simm.s32 @!p0 $0x0  }
0x12: {  	s1 =	sld [smem:$0x3F91];
	s0 =	simm.s32 @p0 $0x1  }
0x13: {  	[smem:$0x3FAC] =	sst s0;
	s0 =	simm.s32 @!p1 $0x0  }
0x14: {  	s2 =	sld [smem:$0x3F90];
	s0 =	simm.s32 @p1 $0x1  }
0x15: {  	[smem:$0x3FAD] =	sst s0;
	s0 =	simm.s32 @!p2 $0x0  }
0x16: {  	s3 =	sld [smem:$0x3FDB];
	s0 =	simm.s32 @p2 $0x1  }
0x17: {  	s4 =	simm.s32 $0x1BF5;
	[smem:$0x3FAF] =	sst s0  }
0x18: {  	s0 =	sld [smem:$0x3F92];
	_ =	swait.ge [sflag:s4], $0x0  }
0x19: {  	s7 =	sld [smem:$0x3F93]  }
0x1a: {  	s8 =	sadd.s32 $0xFFFFE003, lr  }
0x1b: {  	s9 =	sadd.s32 $0xFFFFFEF7, lr;
	s5 =	simm.s32 $0xFFFFFFFF;
	p2 =	slt.u32 s8, $0xFFFFF086  }
0x1c: {  	p1 =	slt.u32 s9, $0xF7A;
	s5 =	simm.s32 @!p2 $0x0  }
0x1d: {  	s5 =	simm.s32 @p1 $0x1;
	p0 =	seq.s32 s7, s2  }
0x1e: {  	s7 =	smul.u32 @!p0 $0xF7A, s2;
	p2 =	seq.s32 @!p0 s5, $0x0  }
0x1f: {  	s9 =	smul.u32 $0xF7A, s1;
	s8 =	simm.s32 @!p0 $0x1BF5;
	p2 =	por !p2, p0  }
0x20: {  	[sflag:s8] =	ssyncset.s32 @!p0 $0xFFFFF086;
	s6 =	sadd.s32 @!p0 s3, s7;
	s7 =	simm.s32 @!p0 $0x108  }
0x21: {  	s3 =	sadd.s32 s3, s9;
	s6 =	sadd.s32 @!p0 $0x88, s6;
	s7 =	simm.s32 @p2 $0x1082  }
0x22: {  	[simem:s7], [sflag:s8] =	dma.local @!p0 [hbm:s6], $0xF7A  }
0x23: {  	s9 =	sor.u32 $0xD0000000, s2;
	s6 =	simm.s32 $0x108;
	_ =	swait.ge @!p0 [sflag:s8], $0x0  }
0x24: {  	s3 =	sadd.s32 $0x88, s3;
	s6 =	simm.s32 @!p1 $0x1082;
	[sflag:s4] =	ssyncset.s32 $0xFFFFF086  }
0x25: {  	[simem:s6], [sflag:s4] =	dma.local [hbm:s3], $0xF7A  }
0x26: {  	[smem:$0x3F93] =	sst s1;
	(tag) =	ssettag s2;
	_ =	strace s9  }
0x27: {  	s1 =	sld [smem:$0x3FA3]  }
0x28: {  	s2 =	sld [smem:$0x3FA4]  }
0x29: {  	s4 =	sld [smem:$0x3FA6]  }
0x2a: {  	p0 =	seq.s32 s5, $0x0;
	s5 =	sld [smem:$0x3FA7]  }
0x2b: {  	s6 =	sld [smem:$0x3FA8]  }
0x2c: {  	s7 =	sld [smem:$0x3FA9]  }
0x2d: {  	s3 =	simm.s32 $0x108;
	s8 =	sld [smem:$0x3FAA]  }
0x2e: {  	s3 =	simm.s32 @!p0 $0x1082;
	s9 =	sld [smem:$0x3FAB]  }
0x2f: {  	lr =	sadd.s32 s0, s3;
	s0 =	sld [smem:$0x3FA2]  }
0x30: {  	s3 =	sld [smem:$0x3FA5]  }
0x31: {  	[smem:$0x3FAE] =	sst s10  }
0x32: {  	s10 =	sld [smem:$0x3FAC];
	_ =	sdelay $0x3  }
0x33: {  	p0 =	seq.s32 s10, $0x1;
	s10 =	sld [smem:$0x3FAE];
	_ =	sdelay $0x3  }
0x34: {  	[smem:$0x3FAE] =	sst s10  }
0x35: {  	s10 =	sld [smem:$0x3FAD];
	_ =	sdelay $0x3  }
0x36: {  	p1 =	seq.s32 s10, $0x1;
	s10 =	sld [smem:$0x3FAE];
	_ =	sdelay $0x3  }
0x37: {  	[smem:$0x3FAE] =	sst s10  }
0x38: {  	s10 =	sld [smem:$0x3FAF]  }
0x39: {  	_ = 	snop;
	(pc) =	sbr.ind lr, $3  }
0x3a: {  	_ = 	snop  }
0x3b: {  	_ = 	snop  }
0x3c: {  	p2 =	seq.s32 s10, $0x1;
	s10 =	sld [smem:$0x3FAE]  }
0x3d: {  	_ =	shalt  }
0x3e: {  	_ =	shalt  }
0x3f: {  	_ =	shalt  }
0x40: {  	_ =	shalt  }
0x41: {  	_ =	shalt  }
0x42: {  	_ =	shalt  }
0x43: {  	_ =	shalt  }
0x44: {  	_ =	shalt  }
0x45: {  	_ =	shalt  }
0x46: {  	_ =	shalt  }
0x47: {  	_ =	shalt  }
0x48: {  	_ =	shalt  }
0x49: {  	_ =	shalt  }
0x4a: {  	_ =	shalt  }
0x4b: {  	_ =	shalt  }
0x4c: {  	_ =	shalt  }
0x4d: {  	_ =	shalt  }
0x4e: {  	_ =	shalt  }
0x4f: {  	_ =	shalt  }
0x50: {  	_ =	shalt  }
0x51: {  	_ =	shalt  }
0x52: {  	_ =	shalt  }
0x53: {  	_ =	shalt  }
0x54: {  	_ =	shalt  }
0x55: {  	_ =	shalt  }
0x56: {  	_ =	shalt  }
0x57: {  	_ =	shalt  }
0x58: {  	_ =	shalt  }
0x59: {  	_ =	shalt  }
0x5a: {  	_ =	shalt  }
0x5b: {  	_ =	shalt  }
0x5c: {  	_ =	shalt  }
0x5d: {  	_ =	shalt  }
0x5e: {  	_ =	shalt  }
0x5f: {  	_ =	shalt  }
0x60: {  	_ =	shalt  }
0x61: {  	_ =	shalt  }
0x62: {  	_ =	shalt  }
0x63: {  	_ =	shalt  }
0x64: {  	_ =	shalt  }
0x65: {  	_ =	shalt  }
0x66: {  	_ =	shalt  }
0x67: {  	_ =	shalt  }
0x68: {  	_ =	shalt  }
0x69: {  	_ =	shalt  }
0x6a: {  	_ =	shalt  }
0x6b: {  	_ =	shalt  }
0x6c: {  	_ =	shalt  }
0x6d: {  	_ =	shalt  }
0x6e: {  	_ =	shalt  }
0x6f: {  	_ =	shalt  }
0x70: {  	_ =	shalt  }
0x71: {  	_ =	shalt  }
0x72: {  	_ =	shalt  }
0x73: {  	_ =	shalt  }
0x74: {  	_ =	shalt  }
0x75: {  	_ =	shalt  }
0x76: {  	_ =	shalt  }
0x77: {  	_ =	shalt  }
0x78: {  	_ =	shalt  }
0x79: {  	_ =	shalt  }
0x7a: {  	_ =	shalt  }
0x7b: {  	_ =	shalt  }
0x7c: {  	_ =	shalt  }
0x7d: {  	_ =	shalt  }
0x7e: {  	_ =	shalt  }
0x7f: {  	_ =	shalt  }
0x80: {  	_ =	shalt  }
0x81: {  	_ =	shalt  }
0x82: {  	_ =	shalt  }
0x83: {  	_ =	shalt  }
0x84: {  	_ =	shalt  }
0x85: {  	_ =	shalt  }
0x86: {  	_ =	shalt  }
0x87: {  	_ =	shalt  }
.Lfunc_end0:
.L_simem_size_0:
called_computation_lowered:
.L_overlay_start_0:
0x88: {  	s2 =	sld [smem:$0x3FD9]  }
0x89: {  	s3 =	sld [smem:$0x3FFE];
	_ =	sdelay $0x1  }
0x8a: {  	s1 =	srdreg.scid  }
0x8b: {  	s0 =	sand.u32 $0x1, s1  }
0x8c: {  	s14 =	sshll.u32 s0, $0xA;
	s2 =	sadd.s32 s3, s2  }
0x8d: {  	s2 =	sadd.s32 s2, s14  }
0x8e: {  	[smem:$0x3FBA] =	sst s2  }
0x8f: {  	_ = 	snop  }
0x90: {  	s2 =	sld [smem:$0x3FD0];
	_ =	sdelay $0x2  }
0x91: {  	s15 =	simm.s32 $0xA;
	s4 =	simm.s32 $0x10  }
0x92: {  	[smem:s4], [sflag:s15] =	dma.local [hbm:s2], $0x1  }
0x93: {  	_ =	swait.eq [sflag:s15], $0x1  }
0x94: {  	[sflag:s15] =	ssyncset.done $0x0  }
0x95: {  	[sflag:s15] =	ssyncadd.s32 $0xFFFFFFFF  }
0x96: {  	s16 =	sld [smem:$0x11];
	(tm) =	ssettm $0x1  }
0x97: {  	s17 =	sld [smem:$0x3FFB];
	_ =	sdelay $0x3  }
0x98: {  	_ =	strace s17  }
0x99: {  	s3 =	sld [smem:$0x3FFC];
	_ =	sdelay $0x3  }
0x9a: {  	_ =	strace s3  }
0x9b: {  	s3 =	sld [smem:$0x3FFD];
	_ =	sdelay $0x3  }
0x9c: {  	_ =	strace s3  }
0x9d: {  	_ =	strace $0x8FFFFFFF  }
0x9e: {  	s18 =	sld [smem:$0x3FDB];
	_ =	sdelay $0x1  }
0x9f: {  	s19 =	simm.s32 $_scs_section_size  }
0xa0: {  	s5 =	simm.s32 $_size__tile_overlayer_lowered;
	s6 =	simm.s32 $_tile_overlayer_lowered  }
0xa1: {  	s22 =	simm.s32 $0x1BFF;
	s21 =	sshll.u32 s6, $0x1;
	s3 =	sadd.s32 s19, s18  }
0xa2: {  	s7 =	simm.s32 $0x0;
	s20 =	sshll.u32 s5, $0x1;
	s5 =	sadd.s32 s21, s3  }
0xa3: {  	[timem:s7], [sflag:s22] =	dma.local [hbm:s5], s20  }
0xa4: {  	_ =	swait.ge [sflag:s22], s20  }
0xa5: {  	s4 =	ssub.s32 $0x0, s20;
	[sflag:s22] =	ssyncset.done $0x0  }
0xa6: {  	[sflag:s22] =	ssyncadd.s32 s4;
	_ =	sdelay $0x1  }
0xa7: {  	s23 =	simm.s32 $0x1B8B  }
0xa8: {  	_ =	swait.ge [sflag:s23], $0x1  }
0xa9: {  	[sflag:s23] =	ssyncset.done $0x0  }
0xaa: {  	s25 =	simm.s32 $0x1B8E;
	s24 =	sld [smem:$0x3FFE];
	[sflag:s23] =	ssyncadd.s32 $0xFFFFFFFF  }
0xab: {  	s26 =	simm.s32 $execute0_lowered;
	[smem:$0x3FD2] =	sst s25  }
0xac: {  	s5 =	sshll.u32 s26, $0x1;
	_ =	strace $0x80000046;
	[dreg:$0x1] =	wrdreg $0xFFFFFFFF  }
0xad: {  	s28 =	simm.s32 $_size_execute0_lowered;
	s3 =	sadd.s32 s3, s5;
	[dreg:$0x0] =	wrdreg $0x0  }
0xae: {  	s5 =	sshll.u32 s28, $0x1;
	[dreg:$0x2] =	wrdreg s3  }
0xaf: {  	[dreg:$0x3] =	wrdreg s5  }
0xb0: {  	[dreg:$0x4] =	wrdreg $0xC0  }
0xb1: {  	_ =	task [dreg:s7], $0x5FFFF  }
0xb2: {  	[dreg:$0x1] =	wrdreg $0xFFFFFFFF  }
0xb3: {  	[dreg:$0x0] =	wrdreg $0x60  }
0xb4: {  	[dreg:$0x2] =	wrdreg s16  }
0xb5: {  	[dreg:$0x3] =	wrdreg s24  }
0xb6: {  	[dreg:$0x4] =	wrdreg $0x9  }
0xb7: {  	_ =	task.clear_ibuf [dreg:s7], $0x5FFFF;
	_ =	strace $0x90000046  }
0xb8: {  	s29 =	simm.s32 $0x9;
	_ =	strace $0x80000048  }
0xb9: {  	_ =	swait.ge [sflag:s29], $0x1  }
0xba: {  	[sflag:s29] =	ssyncadd.s32 $0xFFFFFFFF  }
0xbb: {  	_ =	strace $0x90000048  }
0xbc: {  	_ =	sfence  }
0xbd: {  	s30 =	sld [smem:$0x0];
	_ =	sdelay $0x2  }
0xbe: {  	s31 =	sshll.u32 s1, $0xD;
	s1 =	sshrl.u32 s1, $0x2  }
0xbf: {  	s3 =	sand.u32 $0x4000, s31;
	s1 =	sadd.s32 s1, s30  }
0xc0: {  	s0 =	sor.u32 s3, s0;
	s1 =	sshll.u32 s1, $0x11  }
0xc1: {  	s0 =	sor.u32 s1, s0  }
0xc2: {  	s0 =	sadd.s32 $0x8F2B, s0  }
0xc3: {  	[sflag:s0] =	ssyncadd.remote.s32 $0x1  }
0xc4: {  	_ =	sfence.sel $0xFFFF  }
0xc5: {  	[dreg:$0x0] =	wrdreg $0xFFFFFFFF;
	(pc) =	sbr.abs _section_cstart, $3  }
0xc6: {  	[dreg:$0x1] =	wrdreg $0xFFFFFFFF  }
0xc7: {  	_ =	task.clear_ibuf [dreg:s7], $0x2FFFF;
	_ =	strace $0x9FFFFFFF  }
0xc8: {  	(tm) =	ssettm $0x7FFFFFFF  }
0xc9: {  	_ =	shalt  }
tec
execute0_lowered:
.L_overlay_start_1:
0x0: {  	(tag) =	ssettag $0x1  }
0x1: {  	s1 =	rddreg [dreg:$0x0]  }
0x2: {  	s4 =	rddreg [dreg:$0x1]  }
0x3: {  	s0 =	rddreg [dreg:$0x2];
	s5 =	srdreg.scid  }
0x4: {  	s3 =	simm.s32 $0x0;
	s2 =	stileid.u32;
	s10 =	simm.s32 $0x1  }
0x5: {  	s11 =	simm.s32 $0x0;
	s5 =	sand.u32 $0x1, s5;
	[smem:$0x7FF] =	sst s3  }
0x6: {  	s6 =	sshll.u32 s2, $0xB;
	s8 =	sshll.u32 s2, $0xF;
	s7 =	sshll.u32 s5, $0xA  }
0x7: {  	_ =	strace $0x80000047;
	s29 =	ssub.s32 $0x2, s5;
	s8 =	sadd.s32 s8, s4  }
0x8: {  	s30 =	sshll.u32 s5, $0xE;
	s6 =	sor.u32 s7, s6;
	s9 =	sshrl.u32 s29, $0x1  }
0x9: {  	s31 =	sadd.s32 s30, s8;
	s8 =	simm.s32 $0x80;
	s6 =	sadd.s32 s6, s4  }
0xa: {  	s7 =	ssub.s32 s29, s9;
	s9 =	simm.s32 $0x2000;
	s4 =	sadd.s32 $0x2800, s6  }
0xb: {  	s5 =	smax.u32 s7, $0x1;
	s6 =	sadd.s32 $0xA800, s31;
	s7 =	simm.s32 $0x2  }
.LBB2_1:
0xc: {  	[tilespmem:s3], [sflag:$0x2] =	stream.linear.gather [hbm4b:s4+s3], $0x2000, $0x38;
	[tilespmem:$0x2800] =	vst v63  }
0xd: {  	_ =	swait.ge [sflag:s7], $0x2000  }
0xe: {  	[sflag:s7] =	ssyncset.done $0x0  }
0xf: {  	[sflag:s7] =	ssyncadd.s32 $0xFFFFE000  }
0x10: {  	[tilespmem:s9], [sflag:$0x1] =	stream.indirect.gather [hbm4b:s1+s8], $0x10, s3, s8, $0xb8;
	[tilespmem:$0x2800] =	vst v63  }
0x11: {  	_ =	swait.ge [sflag:s10], $0x800  }
0x12: {  	[sflag:s10] =	ssyncset.done $0x0  }
0x13: {  	s12 =	sadd.s32 $0x0, s6;
	[sflag:s10] =	ssyncadd.s32 $0xFFFFF800  }
0x14: {  	[hbm4b:s12+s3] =	stream.linear.scatter [tilespmem:s9], [sflag:$0x2], $0x800, $0x38;
	[tilespmem:$0x2800] =	vst v63  }
0x15: {  	_ =	swait.ge [sflag:s7], $0x800  }
0x16: {  	s13 =	simm.s32 $0x0;
	s12 =	simm.s32 $0x100;
	[sflag:s7] =	ssyncset.done $0x0  }
.LBB2_2:
0x17: {  	p0 =	sne.s32 s12, $0x3F00;
	[sflag:s7] =	ssyncadd.s32 $0xFFFFF800;
	s13 =	sadd.s32 $0x80, s13  }
0x18: {  	[tilespmem:s9], [sflag:$0x1] =	stream.indirect.gather [hbm4b:s1+s8], $0x10, s13, s8, $0xb8;
	[tilespmem:$0x2800] =	vst v63  }
0x19: {  	s14 =	smov.u32 s12;
	s12 =	sadd.s32 $0x100, s12;
	_ =	swait.ge [sflag:s10], $0x800  }
.Ltmp0:
0x1a: {  	[sflag:s10] =	ssyncset.done $0x0;
	(pc) =	sbr.rel @p0 .LBB2_2-.Ltmp0, $4  }
0x1b: {  	s14 =	sadd.s32 s14, s6;
	[sflag:s10] =	ssyncadd.s32 $0xFFFFF800  }
0x1c: {  	[hbm4b:s14+s3] =	stream.linear.scatter [tilespmem:s9], [sflag:$0x2], $0x800, $0x38;
	[tilespmem:$0x2800] =	vst v63  }
0x1d: {  	_ =	swait.ge [sflag:s7], $0x800  }
0x1e: {  	[sflag:s7] =	ssyncset.done $0x0  }
0x1f: {  	s11 =	sadd.s32 $0x1, s11  }
0x20: {  	p0 =	sne.s32 s11, s5  }
.Ltmp1:
0x21: {  	_ = 	snop;
	(pc) =	sbr.rel @p0 .LBB2_1-.Ltmp1, $2  }
0x22: {  	_ =	sdelay $0x2  }
0x23: {  	[sflag:s7] =	ssyncadd.s32 $0xFFFFF800  }
0x24: {  	_ =	sfence.sel $0x180000  }
0x25: {  	[bflag:$0x0] =	sbarrier.arrive $0xFFFF  }
0x26: {  	p0 =	sne.s32 s2, $0x0;
	_ =	strace $0x90000047  }
0x27: {  	s0 =	sadd.s32 @!p0 $0x100000, s0;
	[bflag:$0x2] =	sbarrier.arrive $0xFFFF  }
0x28: {  	[sflag:s0] =	ssyncadd.tile.s32 @!p0 $0x1;
	_ =	shalt  }
.Lfunc_end2:
_tile_overlayer_lowered:
.L_overlay_start_2:
0x29: {  	(tag) =	ssettag $0x2  }
0x2a: {  	s0 =	rddreg [dreg:$0x0];
	s2 =	stileid.u32  }
0x2b: {  	s1 =	rddreg [dreg:$0x1];
	p0 =	sne.s32 s2, $0x0  }
0x2c: {  	s3 =	rddreg [dreg:$0x2];
	[bflag:$0x3] =	sbarrier.arrive $0xFFFF;
	s2 =	simm.s32 @!p0 $0x1C02  }
0x2d: {  	[timem:s3], [sflag:s2] =	dma.local @!p0 [hbm:s0], s1  }
0x2e: {  	s0 =	simm.s32 @!p0 $0x2  }
0x2f: {  	_ =	swait.ge @!p0 [sflag:s0], s1  }
0x30: {  	s1 =	ssub.s32 @!p0 $0x0, s1;
	[sflag:s0] =	ssyncset.done @!p0 $0x0  }
0x31: {  	[sflag:s0] =	ssyncadd.s32 @!p0 s1  }
0x32: {  	[bflag:$0x3] =	sbarrier.arrive $0xFFFF  }
0x33: {  	_ =	shalt  }

</sc_bundles>
